<compile_context>
chip_gen: v7x
topology: tpu7x:2x2x1
jax: 0.10.2.dev20260603
libtpu: 0.0.44.dev20260713+nightly
codegen_flags: <defaults>
</compile_context>

<pallas_src>
import functools

import jax
import jax.numpy as jnp
from jax import lax
from jax.experimental import pallas as pl
from jax.experimental.pallas import tpu as pltpu
from jax.experimental.pallas import tpu_sc as plsc


def _sc_scatter(sidx3, w3, B, N):
    NN = N * N
    PER_CORE = 8 * NN
    SLICE = PER_CORE // 16
    mesh = plsc.VectorSubcoreMesh(core_axis_name="c", subcore_axis_name="s")

    @functools.partial(
        pl.kernel,
        mesh=mesh,
        out_type=jax.ShapeDtypeStruct((B * NN,), jnp.float32),
        scratch_types=[
            pltpu.VMEM((8192,), jnp.float32),
            pltpu.VMEM((2, 128), jnp.int32),
            pltpu.VMEM((2, 128), jnp.float32),
            pltpu.VMEM_SHARED((PER_CORE,), jnp.float32),
            pltpu.SemaphoreType.DMA,
        ],
    )
    def sc_kernel(sidx_hbm, w_hbm, a_hbm, zbuf, idx_v, w_v, a_sh, sem):
        c = lax.axis_index("c")
        s = lax.axis_index("s")
        wid = c * 16 + s

        ci = pltpu.async_copy(sidx_hbm.at[wid], idx_v, sem)
        cw = pltpu.async_copy(w_hbm.at[wid], w_v, sem)

        @pl.loop(0, 8192, step=16)
        def _(t):
            zbuf[pl.ds(t, 16)] = jnp.zeros((16,), jnp.float32)

        copies = [
            pltpu.async_copy(
                zbuf, a_sh.at[pl.ds(s * SLICE + t * 8192, 8192)], sem)
            for t in range(4)
        ]
        ci.wait()
        cw.wait()
        for cz in copies:
            cz.wait()
        plsc.subcore_barrier()

        for k in range(2):
            pltpu.sync_copy(w_v.at[k], a_sh.at[idx_v.at[k]], add=True)
        plsc.subcore_barrier()

        pltpu.sync_copy(
            a_sh.at[pl.ds(s * SLICE, SLICE)],
            a_hbm.at[pl.ds(c * PER_CORE + s * SLICE, SLICE)],
        )

    return sc_kernel(sidx3, w3)


_QB = 8


def _tc_body(d_ref, w_ref, p_ref, a_ref, out_ref):
    b = pl.program_id(0)
    nb = pl.num_programs(0)
    dsw = (3.0 * jnp.maximum(d_ref[...] - 1.0, 0.0)).astype(jnp.bfloat16)
    acc = jnp.float32(0.0)
    for q in range(_QB):
        p = p_ref[q].astype(jnp.bfloat16)
        n_half = p.shape[0] // 2
        t1 = lax.dot(p, dsw, preferred_element_type=jnp.float32)
        a0 = a_ref[q, 0].astype(jnp.bfloat16)
        a1 = a_ref[q, 1].astype(jnp.bfloat16)
        t2 = (lax.dot(a0, p[:n_half, :], preferred_element_type=jnp.float32)
              + lax.dot(a1, p[n_half:, :], preferred_element_type=jnp.float32))
        num = jnp.sum(t1 * t2)
        den = jnp.sum(w_ref[q, 0])
        acc += num / jnp.maximum(den, 1e-8)

    @pl.when(b == 0)
    def _():
        out_ref[0, 0] = 0.0

    out_ref[0, 0] += acc / (nb * _QB)


def _tc_fused(d_hw, w3d, Pb, A4):
    B, N, _ = Pb.shape
    E = w3d.shape[-1]
    return pl.pallas_call(
        _tc_body,
        grid=(B // _QB,),
        in_specs=[
            pl.BlockSpec((N, N), lambda b: (0, 0)),
            pl.BlockSpec((_QB, 1, E), lambda b: (b, 0, 0)),
            pl.BlockSpec((_QB, N, N), lambda b: (b, 0, 0)),
            pl.BlockSpec((_QB, 2, N, N // 2), lambda b: (b, 0, 0, 0)),
        ],
        out_specs=pl.BlockSpec((1, 1), lambda b: (0, 0),
                               memory_space=pltpu.SMEM),
        out_shape=jax.ShapeDtypeStruct((1, 1), jnp.float32),
    )(d_hw, w3d, Pb, A4)


def kernel(P, d_hw, circuit_edge_pairs, circuit_edge_weights):
    B, N, _ = P.shape
    _, E, _ = circuit_edge_pairs.shape
    NW = 32

    pairs = circuit_edge_pairs.astype(jnp.int32)
    i_idx = pairs[..., 0]
    j_idx = pairs[..., 1]
    lb = (jnp.arange(B, dtype=jnp.int32) % 8)[:, None]
    sidx = lb * (N * N) + ((j_idx >> 7) * N + i_idx) * 128 + (j_idx & 127)
    sidx3 = sidx.reshape(NW, (B * E) // NW // 128, 128)
    w3 = circuit_edge_weights.reshape(NW, (B * E) // NW // 128, 128)
    a_flat = _sc_scatter(sidx3, w3, B, N)
    A4 = a_flat.reshape(B, 2, N, N // 2)
    w3d = circuit_edge_weights.reshape(B, 1, E)
    out = _tc_fused(d_hw, w3d, P, A4)
    return out[0, 0]

# --- scband reference (transcript-rebuilt; emitter-appended) ---
"""Pipeline reference for scband-swap-count-loss-816043786446 (READ-ONLY COPY).

The authoritative reference and input builder live on the scoring server;
editing this copy changes nothing except your own understanding.
"""

import jax, jax.numpy as jnp
import numpy as np

B, E, N = 16, 512, 256


def setup_inputs(seed: int = 0) -> dict:
    key = jax.random.key(seed)
    k1, k2, k3, k4 = jax.random.split(key, 4)
    P = jax.random.uniform(k1, (B, N, N), dtype=jnp.float32)
    d_hw = jax.random.uniform(k2, (N, N), dtype=jnp.float32, minval=0.0, maxval=12.0)
    circuit_edge_pairs = jax.random.randint(k3, (B, E, 2), 0, N, dtype=jnp.int64 if jax.config.jax_enable_x64 else jnp.int32)
    circuit_edge_weights = jax.random.uniform(k4, (B, E), dtype=jnp.float32) + 0.1
    return {
        'P': P,
        'd_hw': d_hw,
        'circuit_edge_pairs': circuit_edge_pairs,
        'circuit_edge_weights': circuit_edge_weights,
    }


def reference(P, d_hw, circuit_edge_pairs, circuit_edge_weights):
    # d_swap(p,q) = 3 * max(d_hop(p,q) - 1, 0); normalize=False
    d_swap = 3.0 * jnp.clip(d_hw - 1.0, 0.0, None)
    i_idx = circuit_edge_pairs[..., 0]  # [B, E]
    j_idx = circuit_edge_pairs[..., 1]  # [B, E]
    # per-batch gather of logical-qubit assignment rows: [B, E, N]
    Pi = jax.vmap(lambda p, idx: jnp.take(p, idx, axis=0))(P, i_idx)
    Pj = jax.vmap(lambda p, idx: jnp.take(p, idx, axis=0))(P, j_idx)
    # cost_e = P[b,i] @ d_swap @ P[b,j]
    cost = jnp.einsum('ben,nm,bem->be', Pi, d_swap, Pj)
    w = circuit_edge_weights
    sample_loss = (w * cost).sum(axis=-1) / jnp.maximum(w.sum(axis=-1), 1e-08)
    # every sample has E > 0 edges, so valid_samples == B
    total_loss = sample_loss.sum() / B
    return total_loss

if __name__ == "__main__":
    import jax
    _d = setup_inputs()
    print(jax.jit(kernel)(*tuple(_d.values())))

</pallas_src>

<mosaic_0001>
#map = affine_map<(d0, d1) -> (0, 0, 0)>
#map1 = affine_map<(d0, d1) -> (0)>
module attributes {stable_mosaic.version = 14 : i64} {
  func.func @sc_kernel(%arg0: i32, %arg1: i32, %arg2: memref<32x2x128xi32, #tpu.memory_space<hbm>>, %arg3: memref<32x2x128xf32, #tpu.memory_space<hbm>>, %arg4: memref<1048576xf32, #tpu.memory_space<hbm>>, %arg5: memref<8192xf32, #tpu.memory_space<vmem>>, %arg6: memref<2x128xi32, #tpu.memory_space<vmem>>, %arg7: memref<2x128xf32, #tpu.memory_space<vmem>>, %arg8: memref<524288xf32, #tpu.memory_space<vmem_shared>>, %arg9: memref<!tpu.dma_semaphore, #tpu.memory_space<semaphore_mem>>) attributes {dimension_semantics = [#tpu.dimension_semantics<core_parallel>, #tpu.dimension_semantics<subcore_parallel>], iteration_bounds = array<i64: 2, 16>, scalar_prefetch = 0 : i64, scratch_operands = 5 : i64, tpu.core_type = #tpu.core_type<sc_vector_subcore>, window_params = [{transform_indices = #map}, {transform_indices = #map}, {transform_indices = #map1}]} {
    %mul3A = arith.constant 16 : i32
    %mul3A_0 = arith.muli %arg0, %mul3A : i32
    %add3A = arith.addi %mul3A_0, %arg1 : i32
    %dma_start3A = arith.constant 0 : i32
    %dma_start3A_1 = arith.constant 0 : i32
    %dma_start3A_2 = tpu.memref_slice %arg2[%add3A, %dma_start3A, %dma_start3A_1] : memref<32x2x128xi32, #tpu.memory_space<hbm>> -> memref<1x2x128xi32, #tpu.memory_space<hbm>>
    %dma_start3A_3 = tpu.memref_squeeze %dma_start3A_2 : memref<1x2x128xi32, #tpu.memory_space<hbm>> -> memref<2x128xi32, #tpu.memory_space<hbm>>
    %dma_start3A_4 = arith.constant 0 : i32
    %dma_start3A_5 = arith.constant 0 : i32
    %dma_start3A_6 = tpu.memref_slice %arg2[%add3A, %dma_start3A_4, %dma_start3A_5] : memref<32x2x128xi32, #tpu.memory_space<hbm>> -> memref<1x2x128xi32, #tpu.memory_space<hbm>>
    %dma_start3A_7 = tpu.memref_squeeze %dma_start3A_6 : memref<1x2x128xi32, #tpu.memory_space<hbm>> -> memref<2x128xi32, #tpu.memory_space<hbm>>
    tpu.enqueue_dma source(%dma_start3A_7 : memref<2x128xi32, #tpu.memory_space<hbm>>) target(%arg6 : memref<2x128xi32, #tpu.memory_space<vmem>>) target_semaphore(%arg9 : memref<!tpu.dma_semaphore, #tpu.memory_space<semaphore_mem>>)
    %dma_start3A_8 = arith.constant 0 : i32
    %dma_start3A_9 = arith.constant 0 : i32
    %dma_start3A_10 = tpu.memref_slice %arg3[%add3A, %dma_start3A_8, %dma_start3A_9] : memref<32x2x128xf32, #tpu.memory_space<hbm>> -> memref<1x2x128xf32, #tpu.memory_space<hbm>>
    %dma_start3A_11 = tpu.memref_squeeze %dma_start3A_10 : memref<1x2x128xf32, #tpu.memory_space<hbm>> -> memref<2x128xf32, #tpu.memory_space<hbm>>
    %dma_start3A_12 = arith.constant 0 : i32
    %dma_start3A_13 = arith.constant 0 : i32
    %dma_start3A_14 = tpu.memref_slice %arg3[%add3A, %dma_start3A_12, %dma_start3A_13] : memref<32x2x128xf32, #tpu.memory_space<hbm>> -> memref<1x2x128xf32, #tpu.memory_space<hbm>>
    %dma_start3A_15 = tpu.memref_squeeze %dma_start3A_14 : memref<1x2x128xf32, #tpu.memory_space<hbm>> -> memref<2x128xf32, #tpu.memory_space<hbm>>
    tpu.enqueue_dma source(%dma_start3A_15 : memref<2x128xf32, #tpu.memory_space<hbm>>) target(%arg7 : memref<2x128xf32, #tpu.memory_space<vmem>>) target_semaphore(%arg9 : memref<!tpu.dma_semaphore, #tpu.memory_space<semaphore_mem>>)
    %scan3A = arith.constant 0 : i32
    %scan3A_16 = arith.constant 512 : i32
    %scan3A_17 = arith.addi %scan3A, %scan3A_16 : i32
    %scan3A_18 = arith.constant 1 : i32
    scf.for %scan3A_78 = %scan3A to %scan3A_17 step %scan3A_18  : i32 {
      %mul3A_79 = arith.constant 16 : i32
      %mul3A_80 = arith.muli %scan3A_78, %mul3A_79 : i32
      %add3A_81 = arith.constant 0 : i32
      %add3A_82 = arith.addi %add3A_81, %mul3A_80 : i32
      %broadcast_in_dim3A = arith.constant 0.000000e+00 : f32
      %broadcast_in_dim3A_83 = vector.broadcast %broadcast_in_dim3A : f32 to vector<16xf32>
      %swap3A = arith.index_cast %add3A_82 : i32 to index
      %swap3A_84 = tpu.vector_load %arg5[%swap3A] {strides = array<i32>} : memref<8192xf32, #tpu.memory_space<vmem>>, vector<16xf32>,
      %swap3A_85 = vector.shape_cast %swap3A_84 : vector<16xf32> to vector<16xf32>
      %swap3A_86 = vector.shape_cast %broadcast_in_dim3A_83 : vector<16xf32> to vector<16xf32>
      tpu.vector_store %arg5[%swap3A], %swap3A_86 {strides = array<i32>} : memref<8192xf32, #tpu.memory_space<vmem>>, vector<16xf32>,
    }
    %scan3A_19 = arith.constant 512 : i32
    %mul3A_20 = arith.constant 32768 : i32
    %mul3A_21 = arith.muli %arg1, %mul3A_20 : i32
    %add3A_22 = arith.constant 0 : i32
    %add3A_23 = arith.addi %mul3A_21, %add3A_22 : i32
    %dma_start3A_24 = tpu.memref_slice %arg8[%add3A_23] : memref<524288xf32, #tpu.memory_space<vmem_shared>> -> memref<8192xf32, #tpu.memory_space<vmem_shared>>
    %dma_start3A_25 = tpu.memref_slice %arg8[%add3A_23] : memref<524288xf32, #tpu.memory_space<vmem_shared>> -> memref<8192xf32, #tpu.memory_space<vmem_shared>>
    tpu.enqueue_dma source(%arg5 : memref<8192xf32, #tpu.memory_space<vmem>>) target(%dma_start3A_25 : memref<8192xf32, #tpu.memory_space<vmem_shared>>) target_semaphore(%arg9 : memref<!tpu.dma_semaphore, #tpu.memory_space<semaphore_mem>>)
    %mul3A_26 = arith.constant 32768 : i32
    %mul3A_27 = arith.muli %arg1, %mul3A_26 : i32
    %add3A_28 = arith.constant 8192 : i32
    %add3A_29 = arith.addi %mul3A_27, %add3A_28 : i32
    %dma_start3A_30 = tpu.memref_slice %arg8[%add3A_29] : memref<524288xf32, #tpu.memory_space<vmem_shared>> -> memref<8192xf32, #tpu.memory_space<vmem_shared>>
    %dma_start3A_31 = tpu.memref_slice %arg8[%add3A_29] : memref<524288xf32, #tpu.memory_space<vmem_shared>> -> memref<8192xf32, #tpu.memory_space<vmem_shared>>
    tpu.enqueue_dma source(%arg5 : memref<8192xf32, #tpu.memory_space<vmem>>) target(%dma_start3A_31 : memref<8192xf32, #tpu.memory_space<vmem_shared>>) target_semaphore(%arg9 : memref<!tpu.dma_semaphore, #tpu.memory_space<semaphore_mem>>)
    %mul3A_32 = arith.constant 32768 : i32
    %mul3A_33 = arith.muli %arg1, %mul3A_32 : i32
    %add3A_34 = arith.constant 16384 : i32
    %add3A_35 = arith.addi %mul3A_33, %add3A_34 : i32
    %dma_start3A_36 = tpu.memref_slice %arg8[%add3A_35] : memref<524288xf32, #tpu.memory_space<vmem_shared>> -> memref<8192xf32, #tpu.memory_space<vmem_shared>>
    %dma_start3A_37 = tpu.memref_slice %arg8[%add3A_35] : memref<524288xf32, #tpu.memory_space<vmem_shared>> -> memref<8192xf32, #tpu.memory_space<vmem_shared>>
    tpu.enqueue_dma source(%arg5 : memref<8192xf32, #tpu.memory_space<vmem>>) target(%dma_start3A_37 : memref<8192xf32, #tpu.memory_space<vmem_shared>>) target_semaphore(%arg9 : memref<!tpu.dma_semaphore, #tpu.memory_space<semaphore_mem>>)
    %mul3A_38 = arith.constant 32768 : i32
    %mul3A_39 = arith.muli %arg1, %mul3A_38 : i32
    %add3A_40 = arith.constant 24576 : i32
    %add3A_41 = arith.addi %mul3A_39, %add3A_40 : i32
    %dma_start3A_42 = tpu.memref_slice %arg8[%add3A_41] : memref<524288xf32, #tpu.memory_space<vmem_shared>> -> memref<8192xf32, #tpu.memory_space<vmem_shared>>
    %dma_start3A_43 = tpu.memref_slice %arg8[%add3A_41] : memref<524288xf32, #tpu.memory_space<vmem_shared>> -> memref<8192xf32, #tpu.memory_space<vmem_shared>>
    tpu.enqueue_dma source(%arg5 : memref<8192xf32, #tpu.memory_space<vmem>>) target(%dma_start3A_43 : memref<8192xf32, #tpu.memory_space<vmem_shared>>) target_semaphore(%arg9 : memref<!tpu.dma_semaphore, #tpu.memory_space<semaphore_mem>>)
    %dma_wait3A = arith.constant 0 : i32
    %dma_wait3A_44 = arith.constant 0 : i32
    %dma_wait3A_45 = tpu.memref_slice %arg2[%add3A, %dma_wait3A, %dma_wait3A_44] : memref<32x2x128xi32, #tpu.memory_space<hbm>> -> memref<1x2x128xi32, #tpu.memory_space<hbm>>
    %dma_wait3A_46 = tpu.memref_squeeze %dma_wait3A_45 : memref<1x2x128xi32, #tpu.memory_space<hbm>> -> memref<2x128xi32, #tpu.memory_space<hbm>>
    %dma_wait3A_47 = arith.constant 0 : i32
    %dma_wait3A_48 = arith.constant 0 : i32
    %dma_wait3A_49 = tpu.memref_slice %arg2[%add3A, %dma_wait3A_47, %dma_wait3A_48] : memref<32x2x128xi32, #tpu.memory_space<hbm>> -> memref<1x2x128xi32, #tpu.memory_space<hbm>>
    %dma_wait3A_50 = tpu.memref_squeeze %dma_wait3A_49 : memref<1x2x128xi32, #tpu.memory_space<hbm>> -> memref<2x128xi32, #tpu.memory_space<hbm>>
    tpu.wait_dma2 semaphore(%arg9 : memref<!tpu.dma_semaphore, #tpu.memory_space<semaphore_mem>>) src(%dma_wait3A_50 : memref<2x128xi32, #tpu.memory_space<hbm>>) dst(%arg6 : memref<2x128xi32, #tpu.memory_space<vmem>>)
    %dma_wait3A_51 = arith.constant 0 : i32
    %dma_wait3A_52 = arith.constant 0 : i32
    %dma_wait3A_53 = tpu.memref_slice %arg3[%add3A, %dma_wait3A_51, %dma_wait3A_52] : memref<32x2x128xf32, #tpu.memory_space<hbm>> -> memref<1x2x128xf32, #tpu.memory_space<hbm>>
    %dma_wait3A_54 = tpu.memref_squeeze %dma_wait3A_53 : memref<1x2x128xf32, #tpu.memory_space<hbm>> -> memref<2x128xf32, #tpu.memory_space<hbm>>
    %dma_wait3A_55 = arith.constant 0 : i32
    %dma_wait3A_56 = arith.constant 0 : i32
    %dma_wait3A_57 = tpu.memref_slice %arg3[%add3A, %dma_wait3A_55, %dma_wait3A_56] : memref<32x2x128xf32, #tpu.memory_space<hbm>> -> memref<1x2x128xf32, #tpu.memory_space<hbm>>
    %dma_wait3A_58 = tpu.memref_squeeze %dma_wait3A_57 : memref<1x2x128xf32, #tpu.memory_space<hbm>> -> memref<2x128xf32, #tpu.memory_space<hbm>>
    tpu.wait_dma2 semaphore(%arg9 : memref<!tpu.dma_semaphore, #tpu.memory_space<semaphore_mem>>) src(%dma_wait3A_58 : memref<2x128xf32, #tpu.memory_space<hbm>>) dst(%arg7 : memref<2x128xf32, #tpu.memory_space<vmem>>)
    %dma_wait3A_59 = tpu.memref_slice %arg8[%add3A_23] : memref<524288xf32, #tpu.memory_space<vmem_shared>> -> memref<8192xf32, #tpu.memory_space<vmem_shared>>
    %dma_wait3A_60 = tpu.memref_slice %arg8[%add3A_23] : memref<524288xf32, #tpu.memory_space<vmem_shared>> -> memref<8192xf32, #tpu.memory_space<vmem_shared>>
    tpu.wait_dma2 semaphore(%arg9 : memref<!tpu.dma_semaphore, #tpu.memory_space<semaphore_mem>>) src(%arg5 : memref<8192xf32, #tpu.memory_space<vmem>>) dst(%dma_wait3A_60 : memref<8192xf32, #tpu.memory_space<vmem_shared>>)
    %dma_wait3A_61 = tpu.memref_slice %arg8[%add3A_29] : memref<524288xf32, #tpu.memory_space<vmem_shared>> -> memref<8192xf32, #tpu.memory_space<vmem_shared>>
    %dma_wait3A_62 = tpu.memref_slice %arg8[%add3A_29] : memref<524288xf32, #tpu.memory_space<vmem_shared>> -> memref<8192xf32, #tpu.memory_space<vmem_shared>>
    tpu.wait_dma2 semaphore(%arg9 : memref<!tpu.dma_semaphore, #tpu.memory_space<semaphore_mem>>) src(%arg5 : memref<8192xf32, #tpu.memory_space<vmem>>) dst(%dma_wait3A_62 : memref<8192xf32, #tpu.memory_space<vmem_shared>>)
    %dma_wait3A_63 = tpu.memref_slice %arg8[%add3A_35] : memref<524288xf32, #tpu.memory_space<vmem_shared>> -> memref<8192xf32, #tpu.memory_space<vmem_shared>>
    %dma_wait3A_64 = tpu.memref_slice %arg8[%add3A_35] : memref<524288xf32, #tpu.memory_space<vmem_shared>> -> memref<8192xf32, #tpu.memory_space<vmem_shared>>
    tpu.wait_dma2 semaphore(%arg9 : memref<!tpu.dma_semaphore, #tpu.memory_space<semaphore_mem>>) src(%arg5 : memref<8192xf32, #tpu.memory_space<vmem>>) dst(%dma_wait3A_64 : memref<8192xf32, #tpu.memory_space<vmem_shared>>)
    %dma_wait3A_65 = tpu.memref_slice %arg8[%add3A_41] : memref<524288xf32, #tpu.memory_space<vmem_shared>> -> memref<8192xf32, #tpu.memory_space<vmem_shared>>
    %dma_wait3A_66 = tpu.memref_slice %arg8[%add3A_41] : memref<524288xf32, #tpu.memory_space<vmem_shared>> -> memref<8192xf32, #tpu.memory_space<vmem_shared>>
    tpu.wait_dma2 semaphore(%arg9 : memref<!tpu.dma_semaphore, #tpu.memory_space<semaphore_mem>>) src(%arg5 : memref<8192xf32, #tpu.memory_space<vmem>>) dst(%dma_wait3A_66 : memref<8192xf32, #tpu.memory_space<vmem_shared>>)
    %barrier3A = arith.constant 0 : index
    tpu.barrier barrier_id(%barrier3A)
    %run_scoped3A = arith.constant 0 : i32
    %run_scoped3A_67 = arith.constant 0 : i32
    "tpu.region"() ({
      %run_scoped3A_78 = tpu.sem_alloc : memref<!tpu.dma_semaphore, #tpu.memory_space<semaphore_mem>>
      %dma_start3A_79 = arith.constant 0 : i32
      %dma_start3A_80 = tpu.memref_slice %arg7[%run_scoped3A, %dma_start3A_79] : memref<2x128xf32, #tpu.memory_space<vmem>> -> memref<1x128xf32, #tpu.memory_space<vmem>>
      %dma_start3A_81 = tpu.memref_squeeze %dma_start3A_80 : memref<1x128xf32, #tpu.memory_space<vmem>> -> memref<128xf32, #tpu.memory_space<vmem>>
      %dma_start3A_82 = arith.constant 0 : i32
      %dma_start3A_83 = tpu.memref_slice %arg6[%run_scoped3A_67, %dma_start3A_82] : memref<2x128xi32, #tpu.memory_space<vmem>> -> memref<1x128xi32, #tpu.memory_space<vmem>>
      %dma_start3A_84 = tpu.memref_squeeze %dma_start3A_83 : memref<1x128xi32, #tpu.memory_space<vmem>> -> memref<128xi32, #tpu.memory_space<vmem>>
      %dma_start3A_85 = arith.constant 0 : i32
      %dma_start3A_86 = tpu.memref_slice %arg8[%dma_start3A_85] : memref<524288xf32, #tpu.memory_space<vmem_shared>> -> memref<524288xf32, #tpu.memory_space<vmem_shared>>
      tpu.enqueue_indirect_dma source(%dma_start3A_81 : memref<128xf32, #tpu.memory_space<vmem>>) target(%dma_start3A_86 : memref<524288xf32, #tpu.memory_space<vmem_shared>>) offsets(%dma_start3A_84 : memref<128xi32, #tpu.memory_space<vmem>>) semaphore(%run_scoped3A_78 : memref<!tpu.dma_semaphore, #tpu.memory_space<semaphore_mem>>) {add = true}
      %dma_wait3A_87 = arith.constant 0 : i32
      %dma_wait3A_88 = tpu.memref_slice %arg7[%run_scoped3A, %dma_wait3A_87] : memref<2x128xf32, #tpu.memory_space<vmem>> -> memref<1x128xf32, #tpu.memory_space<vmem>>
      %dma_wait3A_89 = tpu.memref_squeeze %dma_wait3A_88 : memref<1x128xf32, #tpu.memory_space<vmem>> -> memref<128xf32, #tpu.memory_space<vmem>>
      %dma_wait3A_90 = arith.constant 0 : i32
      %dma_wait3A_91 = tpu.memref_slice %arg6[%run_scoped3A_67, %dma_wait3A_90] : memref<2x128xi32, #tpu.memory_space<vmem>> -> memref<1x128xi32, #tpu.memory_space<vmem>>
      %dma_wait3A_92 = tpu.memref_squeeze %dma_wait3A_91 : memref<1x128xi32, #tpu.memory_space<vmem>> -> memref<128xi32, #tpu.memory_space<vmem>>
      %dma_wait3A_93 = arith.constant 0 : i32
      %dma_wait3A_94 = tpu.memref_slice %arg8[%dma_wait3A_93] : memref<524288xf32, #tpu.memory_space<vmem_shared>> -> memref<524288xf32, #tpu.memory_space<vmem_shared>>
      tpu.wait_indirect_dma semaphore(%run_scoped3A_78 : memref<!tpu.dma_semaphore, #tpu.memory_space<semaphore_mem>>) src(%dma_wait3A_89 : memref<128xf32, #tpu.memory_space<vmem>>) dst(%dma_wait3A_94 : memref<524288xf32, #tpu.memory_space<vmem_shared>>)
      tpu.yield
    }) : () -> ()
    %run_scoped3A_68 = arith.constant 1 : i32
    %run_scoped3A_69 = arith.constant 1 : i32
    "tpu.region"() ({
      %run_scoped3A_78 = tpu.sem_alloc : memref<!tpu.dma_semaphore, #tpu.memory_space<semaphore_mem>>
      %dma_start3A_79 = arith.constant 0 : i32
      %dma_start3A_80 = tpu.memref_slice %arg7[%run_scoped3A_68, %dma_start3A_79] : memref<2x128xf32, #tpu.memory_space<vmem>> -> memref<1x128xf32, #tpu.memory_space<vmem>>
      %dma_start3A_81 = tpu.memref_squeeze %dma_start3A_80 : memref<1x128xf32, #tpu.memory_space<vmem>> -> memref<128xf32, #tpu.memory_space<vmem>>
      %dma_start3A_82 = arith.constant 0 : i32
      %dma_start3A_83 = tpu.memref_slice %arg6[%run_scoped3A_69, %dma_start3A_82] : memref<2x128xi32, #tpu.memory_space<vmem>> -> memref<1x128xi32, #tpu.memory_space<vmem>>
      %dma_start3A_84 = tpu.memref_squeeze %dma_start3A_83 : memref<1x128xi32, #tpu.memory_space<vmem>> -> memref<128xi32, #tpu.memory_space<vmem>>
      %dma_start3A_85 = arith.constant 0 : i32
      %dma_start3A_86 = tpu.memref_slice %arg8[%dma_start3A_85] : memref<524288xf32, #tpu.memory_space<vmem_shared>> -> memref<524288xf32, #tpu.memory_space<vmem_shared>>
      tpu.enqueue_indirect_dma source(%dma_start3A_81 : memref<128xf32, #tpu.memory_space<vmem>>) target(%dma_start3A_86 : memref<524288xf32, #tpu.memory_space<vmem_shared>>) offsets(%dma_start3A_84 : memref<128xi32, #tpu.memory_space<vmem>>) semaphore(%run_scoped3A_78 : memref<!tpu.dma_semaphore, #tpu.memory_space<semaphore_mem>>) {add = true}
      %dma_wait3A_87 = arith.constant 0 : i32
      %dma_wait3A_88 = tpu.memref_slice %arg7[%run_scoped3A_68, %dma_wait3A_87] : memref<2x128xf32, #tpu.memory_space<vmem>> -> memref<1x128xf32, #tpu.memory_space<vmem>>
      %dma_wait3A_89 = tpu.memref_squeeze %dma_wait3A_88 : memref<1x128xf32, #tpu.memory_space<vmem>> -> memref<128xf32, #tpu.memory_space<vmem>>
      %dma_wait3A_90 = arith.constant 0 : i32
      %dma_wait3A_91 = tpu.memref_slice %arg6[%run_scoped3A_69, %dma_wait3A_90] : memref<2x128xi32, #tpu.memory_space<vmem>> -> memref<1x128xi32, #tpu.memory_space<vmem>>
      %dma_wait3A_92 = tpu.memref_squeeze %dma_wait3A_91 : memref<1x128xi32, #tpu.memory_space<vmem>> -> memref<128xi32, #tpu.memory_space<vmem>>
      %dma_wait3A_93 = arith.constant 0 : i32
      %dma_wait3A_94 = tpu.memref_slice %arg8[%dma_wait3A_93] : memref<524288xf32, #tpu.memory_space<vmem_shared>> -> memref<524288xf32, #tpu.memory_space<vmem_shared>>
      tpu.wait_indirect_dma semaphore(%run_scoped3A_78 : memref<!tpu.dma_semaphore, #tpu.memory_space<semaphore_mem>>) src(%dma_wait3A_89 : memref<128xf32, #tpu.memory_space<vmem>>) dst(%dma_wait3A_94 : memref<524288xf32, #tpu.memory_space<vmem_shared>>)
      tpu.yield
    }) : () -> ()
    %barrier3A_70 = arith.constant 0 : index
    tpu.barrier barrier_id(%barrier3A_70)
    %mul3A_71 = arith.constant 32768 : i32
    %mul3A_72 = arith.muli %arg1, %mul3A_71 : i32
    %mul3A_73 = arith.constant 524288 : i32
    %mul3A_74 = arith.muli %arg0, %mul3A_73 : i32
    %mul3A_75 = arith.constant 32768 : i32
    %mul3A_76 = arith.muli %arg1, %mul3A_75 : i32
    %add3A_77 = arith.addi %mul3A_74, %mul3A_76 : i32
    "tpu.region"() ({
      %run_scoped3A_78 = tpu.sem_alloc : memref<!tpu.dma_semaphore, #tpu.memory_space<semaphore_mem>>
      %dma_start3A_79 = tpu.memref_slice %arg4[%add3A_77] : memref<1048576xf32, #tpu.memory_space<hbm>> -> memref<32768xf32, #tpu.memory_space<hbm>>
      %dma_start3A_80 = tpu.memref_slice %arg8[%mul3A_72] : memref<524288xf32, #tpu.memory_space<vmem_shared>> -> memref<32768xf32, #tpu.memory_space<vmem_shared>>
      tpu.enqueue_dma source(%dma_start3A_80 : memref<32768xf32, #tpu.memory_space<vmem_shared>>) target(%dma_start3A_79 : memref<32768xf32, #tpu.memory_space<hbm>>) target_semaphore(%run_scoped3A_78 : memref<!tpu.dma_semaphore, #tpu.memory_space<semaphore_mem>>)
      %dma_wait3A_81 = tpu.memref_slice %arg4[%add3A_77] : memref<1048576xf32, #tpu.memory_space<hbm>> -> memref<32768xf32, #tpu.memory_space<hbm>>
      %dma_wait3A_82 = tpu.memref_slice %arg8[%mul3A_72] : memref<524288xf32, #tpu.memory_space<vmem_shared>> -> memref<32768xf32, #tpu.memory_space<vmem_shared>>
      tpu.wait_dma2 semaphore(%run_scoped3A_78 : memref<!tpu.dma_semaphore, #tpu.memory_space<semaphore_mem>>) src(%dma_wait3A_82 : memref<32768xf32, #tpu.memory_space<vmem_shared>>) dst(%dma_wait3A_81 : memref<32768xf32, #tpu.memory_space<hbm>>)
      tpu.yield
    }) : () -> ()
    return
  }
}

module attributes {stable_mosaic.version = 14 : i64} {
  func.func @_tc_body(%arg0: i32, %arg1: memref<256x256xf32, #tpu.memory_space<vmem>>, %arg2: memref<8x1x512xf32, #tpu.memory_space<vmem>>, %arg3: memref<8x256x256xf32, #tpu.memory_space<vmem>>, %arg4: memref<8x2x256x128xf32, #tpu.memory_space<vmem>>, %arg5: memref<1x1xf32, #tpu.memory_space<smem>>) attributes {dimension_semantics = [#tpu.dimension_semantics<arbitrary>], iteration_bounds = array<i64: 2>, scalar_prefetch = 0 : i64, scratch_operands = 0 : i64, tpu.core_type = #tpu.core_type<tc>, window_params = [{pipeline_mode = #tpu.pipeline_mode<synchronous>, transform_indices = @transform_0, window_bounds = array<i64: 256, 256>}, {transform_indices = @transform_1, window_bounds = array<i64: 8, 1, 512>}, {transform_indices = @transform_2, window_bounds = array<i64: 8, 256, 256>}, {transform_indices = @transform_3, window_bounds = array<i64: 8, 2, 256, 128>}, {transform_indices = @transform_4, window_bounds = array<i64: 1, 1>}]} {
    %get3A = arith.constant 0 : index
    %get3A_0 = arith.constant 0 : index
    %get3A_1 = vector.load %arg1[%get3A, %get3A_0] : memref<256x256xf32, #tpu.memory_space<vmem>>, vector<256x256xf32>
    %sub3A = arith.constant 1.000000e+00 : f32
    %sub3A_2 = vector.broadcast %sub3A : f32 to vector<256x256xf32>
    %sub3A_3 = arith.subf %get3A_1, %sub3A_2 : vector<256x256xf32>
    %max3A = arith.constant 0.000000e+00 : f32
    %max3A_4 = vector.broadcast %max3A : f32 to vector<256x256xf32>
    %max3A_5 = arith.maximumf %sub3A_3, %max3A_4 : vector<256x256xf32>
    %mul3A = arith.constant 3.000000e+00 : f32
    %mul3A_6 = vector.broadcast %mul3A : f32 to vector<256x256xf32>
    %mul3A_7 = arith.mulf %mul3A_6, %max3A_5 : vector<256x256xf32>
    %convert_element_type3A = arith.truncf %mul3A_7 : vector<256x256xf32> to vector<256x256xbf16>
    %get3A_8 = arith.constant 0 : index
    %get3A_9 = arith.constant 0 : index
    %get3A_10 = arith.constant 0 : index
    %get3A_11 = vector.load %arg3[%get3A_8, %get3A_9, %get3A_10] : memref<8x256x256xf32, #tpu.memory_space<vmem>>, vector<1x256x256xf32>
    %get3A_12 = vector.shape_cast %get3A_11 : vector<1x256x256xf32> to vector<256x256xf32>
    %convert_element_type3A_13 = arith.truncf %get3A_12 : vector<256x256xf32> to vector<256x256xbf16>
    %dot_general3A = arith.constant dense<0.000000e+00> : vector<256x256xf32>
    %dot_general3A_14 = tpu.matmul %convert_element_type3A_13, %convert_element_type3A, %dot_general3A {dimension_numbers = #tpu.dot_dimension_numbers<[1], [0], [0], [1], [0, 0, 1, 1], [], []>, transpose_lhs_hint = false} : vector<256x256xbf16>, vector<256x256xbf16>, vector<256x256xf32> -> vector<256x256xf32>
    %get3A_15 = arith.constant 0 : index
    %get3A_16 = arith.constant 0 : index
    %get3A_17 = arith.constant 0 : index
    %get3A_18 = arith.constant 0 : index
    %get3A_19 = vector.load %arg4[%get3A_15, %get3A_16, %get3A_17, %get3A_18] : memref<8x2x256x128xf32, #tpu.memory_space<vmem>>, vector<1x1x256x128xf32>
    %get3A_20 = vector.shape_cast %get3A_19 : vector<1x1x256x128xf32> to vector<256x128xf32>
    %convert_element_type3A_21 = arith.truncf %get3A_20 : vector<256x128xf32> to vector<256x128xbf16>
    %get3A_22 = arith.constant 0 : index
    %get3A_23 = arith.constant 1 : index
    %get3A_24 = arith.constant 0 : index
    %get3A_25 = arith.constant 0 : index
    %get3A_26 = vector.load %arg4[%get3A_22, %get3A_23, %get3A_24, %get3A_25] : memref<8x2x256x128xf32, #tpu.memory_space<vmem>>, vector<1x1x256x128xf32>
    %get3A_27 = vector.shape_cast %get3A_26 : vector<1x1x256x128xf32> to vector<256x128xf32>
    %convert_element_type3A_28 = arith.truncf %get3A_27 : vector<256x128xf32> to vector<256x128xbf16>
    %slice3A = vector.extract_strided_slice %convert_element_type3A_13 {offsets = [0, 0], sizes = [128, 256], strides = [1, 1]} : vector<256x256xbf16> to vector<128x256xbf16>
    %dot_general3A_29 = arith.constant dense<0.000000e+00> : vector<256x256xf32>
    %dot_general3A_30 = tpu.matmul %convert_element_type3A_21, %slice3A, %dot_general3A_29 {dimension_numbers = #tpu.dot_dimension_numbers<[1], [0], [0], [1], [0, 0, 1, 1], [], []>, transpose_lhs_hint = false} : vector<256x128xbf16>, vector<128x256xbf16>, vector<256x256xf32> -> vector<256x256xf32>
    %slice3A_31 = vector.extract_strided_slice %convert_element_type3A_13 {offsets = [128, 0], sizes = [128, 256], strides = [1, 1]} : vector<256x256xbf16> to vector<128x256xbf16>
    %dot_general3A_32 = arith.constant dense<0.000000e+00> : vector<256x256xf32>
    %dot_general3A_33 = tpu.matmul %convert_element_type3A_28, %slice3A_31, %dot_general3A_32 {dimension_numbers = #tpu.dot_dimension_numbers<[1], [0], [0], [1], [0, 0, 1, 1], [], []>, transpose_lhs_hint = false} : vector<256x128xbf16>, vector<128x256xbf16>, vector<256x256xf32> -> vector<256x256xf32>
    %add3A = arith.addf %dot_general3A_30, %dot_general3A_33 : vector<256x256xf32>
    %mul3A_34 = arith.mulf %dot_general3A_14, %add3A : vector<256x256xf32>
    %reduce_sum3A = vector.shape_cast %mul3A_34 : vector<256x256xf32> to vector<1x256x256xf32>
    %reduce_sum3A_35 = arith.constant dense<0.000000e+00> : vector<1xf32>
    %reduce_sum3A_36 = vector.multi_reduction <add>, %reduce_sum3A, %reduce_sum3A_35 [1, 2] : vector<1x256x256xf32> to vector<1xf32>
    %reduce_sum3A_37 = vector.shape_cast %reduce_sum3A_36 : vector<1xf32> to vector<1x1x1xf32>
    %reduce_sum3A_38 = vector.extract %reduce_sum3A_37[0, 0, 0] : f32 from vector<1x1x1xf32>
    %get3A_39 = arith.constant 0 : index
    %get3A_40 = arith.constant 0 : index
    %get3A_41 = arith.constant 0 : index
    %get3A_42 = vector.load %arg2[%get3A_39, %get3A_40, %get3A_41] : memref<8x1x512xf32, #tpu.memory_space<vmem>>, vector<1x1x512xf32>
    %get3A_43 = vector.shape_cast %get3A_42 : vector<1x1x512xf32> to vector<512xf32>
    %reduce_sum3A_44 = vector.shape_cast %get3A_43 : vector<512xf32> to vector<1x512xf32>
    %reduce_sum3A_45 = arith.constant dense<0.000000e+00> : vector<1xf32>
    %reduce_sum3A_46 = vector.multi_reduction <add>, %reduce_sum3A_44, %reduce_sum3A_45 [1] : vector<1x512xf32> to vector<1xf32>
    %reduce_sum3A_47 = vector.shape_cast %reduce_sum3A_46 : vector<1xf32> to vector<1x1xf32>
    %reduce_sum3A_48 = vector.extract %reduce_sum3A_47[0, 0] : f32 from vector<1x1xf32>
    %max3A_49 = arith.constant 9.99999993E-9 : f32
    %max3A_50 = arith.maximumf %reduce_sum3A_48, %max3A_49 : f32
    %div3A = arith.divf %reduce_sum3A_38, %max3A_50 : f32
    %add3A_51 = arith.constant 0.000000e+00 : f32
    %add3A_52 = arith.addf %add3A_51, %div3A : f32
    %get3A_53 = arith.constant 1 : index
    %get3A_54 = arith.constant 0 : index
    %get3A_55 = arith.constant 0 : index
    %get3A_56 = vector.load %arg3[%get3A_53, %get3A_54, %get3A_55] : memref<8x256x256xf32, #tpu.memory_space<vmem>>, vector<1x256x256xf32>
    %get3A_57 = vector.shape_cast %get3A_56 : vector<1x256x256xf32> to vector<256x256xf32>
    %convert_element_type3A_58 = arith.truncf %get3A_57 : vector<256x256xf32> to vector<256x256xbf16>
    %dot_general3A_59 = arith.constant dense<0.000000e+00> : vector<256x256xf32>
    %dot_general3A_60 = tpu.matmul %convert_element_type3A_58, %convert_element_type3A, %dot_general3A_59 {dimension_numbers = #tpu.dot_dimension_numbers<[1], [0], [0], [1], [0, 0, 1, 1], [], []>, transpose_lhs_hint = false} : vector<256x256xbf16>, vector<256x256xbf16>, vector<256x256xf32> -> vector<256x256xf32>
    %get3A_61 = arith.constant 1 : index
    %get3A_62 = arith.constant 0 : index
    %get3A_63 = arith.constant 0 : index
    %get3A_64 = arith.constant 0 : index
    %get3A_65 = vector.load %arg4[%get3A_61, %get3A_62, %get3A_63, %get3A_64] : memref<8x2x256x128xf32, #tpu.memory_space<vmem>>, vector<1x1x256x128xf32>
    %get3A_66 = vector.shape_cast %get3A_65 : vector<1x1x256x128xf32> to vector<256x128xf32>
    %convert_element_type3A_67 = arith.truncf %get3A_66 : vector<256x128xf32> to vector<256x128xbf16>
    %get3A_68 = arith.constant 1 : index
    %get3A_69 = arith.constant 1 : index
    %get3A_70 = arith.constant 0 : index
    %get3A_71 = arith.constant 0 : index
    %get3A_72 = vector.load %arg4[%get3A_68, %get3A_69, %get3A_70, %get3A_71] : memref<8x2x256x128xf32, #tpu.memory_space<vmem>>, vector<1x1x256x128xf32>
    %get3A_73 = vector.shape_cast %get3A_72 : vector<1x1x256x128xf32> to vector<256x128xf32>
    %convert_element_type3A_74 = arith.truncf %get3A_73 : vector<256x128xf32> to vector<256x128xbf16>
    %slice3A_75 = vector.extract_strided_slice %convert_element_type3A_58 {offsets = [0, 0], sizes = [128, 256], strides = [1, 1]} : vector<256x256xbf16> to vector<128x256xbf16>
    %dot_general3A_76 = arith.constant dense<0.000000e+00> : vector<256x256xf32>
    %dot_general3A_77 = tpu.matmul %convert_element_type3A_67, %slice3A_75, %dot_general3A_76 {dimension_numbers = #tpu.dot_dimension_numbers<[1], [0], [0], [1], [0, 0, 1, 1], [], []>, transpose_lhs_hint = false} : vector<256x128xbf16>, vector<128x256xbf16>, vector<256x256xf32> -> vector<256x256xf32>
    %slice3A_78 = vector.extract_strided_slice %convert_element_type3A_58 {offsets = [128, 0], sizes = [128, 256], strides = [1, 1]} : vector<256x256xbf16> to vector<128x256xbf16>
    %dot_general3A_79 = arith.constant dense<0.000000e+00> : vector<256x256xf32>
    %dot_general3A_80 = tpu.matmul %convert_element_type3A_74, %slice3A_78, %dot_general3A_79 {dimension_numbers = #tpu.dot_dimension_numbers<[1], [0], [0], [1], [0, 0, 1, 1], [], []>, transpose_lhs_hint = false} : vector<256x128xbf16>, vector<128x256xbf16>, vector<256x256xf32> -> vector<256x256xf32>
    %add3A_81 = arith.addf %dot_general3A_77, %dot_general3A_80 : vector<256x256xf32>
    %mul3A_82 = arith.mulf %dot_general3A_60, %add3A_81 : vector<256x256xf32>
    %reduce_sum3A_83 = vector.shape_cast %mul3A_82 : vector<256x256xf32> to vector<1x256x256xf32>
    %reduce_sum3A_84 = arith.constant dense<0.000000e+00> : vector<1xf32>
    %reduce_sum3A_85 = vector.multi_reduction <add>, %reduce_sum3A_83, %reduce_sum3A_84 [1, 2] : vector<1x256x256xf32> to vector<1xf32>
    %reduce_sum3A_86 = vector.shape_cast %reduce_sum3A_85 : vector<1xf32> to vector<1x1x1xf32>
    %reduce_sum3A_87 = vector.extract %reduce_sum3A_86[0, 0, 0] : f32 from vector<1x1x1xf32>
    %get3A_88 = arith.constant 1 : index
    %get3A_89 = arith.constant 0 : index
    %get3A_90 = arith.constant 0 : index
    %get3A_91 = vector.load %arg2[%get3A_88, %get3A_89, %get3A_90] : memref<8x1x512xf32, #tpu.memory_space<vmem>>, vector<1x1x512xf32>
    %get3A_92 = vector.shape_cast %get3A_91 : vector<1x1x512xf32> to vector<512xf32>
    %reduce_sum3A_93 = vector.shape_cast %get3A_92 : vector<512xf32> to vector<1x512xf32>
    %reduce_sum3A_94 = arith.constant dense<0.000000e+00> : vector<1xf32>
    %reduce_sum3A_95 = vector.multi_reduction <add>, %reduce_sum3A_93, %reduce_sum3A_94 [1] : vector<1x512xf32> to vector<1xf32>
    %reduce_sum3A_96 = vector.shape_cast %reduce_sum3A_95 : vector<1xf32> to vector<1x1xf32>
    %reduce_sum3A_97 = vector.extract %reduce_sum3A_96[0, 0] : f32 from vector<1x1xf32>
    %max3A_98 = arith.constant 9.99999993E-9 : f32
    %max3A_99 = arith.maximumf %reduce_sum3A_97, %max3A_98 : f32
    %div3A_100 = arith.divf %reduce_sum3A_87, %max3A_99 : f32
    %add3A_101 = arith.addf %add3A_52, %div3A_100 : f32
    %get3A_102 = arith.constant 2 : index
    %get3A_103 = arith.constant 0 : index
    %get3A_104 = arith.constant 0 : index
    %get3A_105 = vector.load %arg3[%get3A_102, %get3A_103, %get3A_104] : memref<8x256x256xf32, #tpu.memory_space<vmem>>, vector<1x256x256xf32>
    %get3A_106 = vector.shape_cast %get3A_105 : vector<1x256x256xf32> to vector<256x256xf32>
    %convert_element_type3A_107 = arith.truncf %get3A_106 : vector<256x256xf32> to vector<256x256xbf16>
    %dot_general3A_108 = arith.constant dense<0.000000e+00> : vector<256x256xf32>
    %dot_general3A_109 = tpu.matmul %convert_element_type3A_107, %convert_element_type3A, %dot_general3A_108 {dimension_numbers = #tpu.dot_dimension_numbers<[1], [0], [0], [1], [0, 0, 1, 1], [], []>, transpose_lhs_hint = false} : vector<256x256xbf16>, vector<256x256xbf16>, vector<256x256xf32> -> vector<256x256xf32>
    %get3A_110 = arith.constant 2 : index
    %get3A_111 = arith.constant 0 : index
    %get3A_112 = arith.constant 0 : index
    %get3A_113 = arith.constant 0 : index
    %get3A_114 = vector.load %arg4[%get3A_110, %get3A_111, %get3A_112, %get3A_113] : memref<8x2x256x128xf32, #tpu.memory_space<vmem>>, vector<1x1x256x128xf32>
    %get3A_115 = vector.shape_cast %get3A_114 : vector<1x1x256x128xf32> to vector<256x128xf32>
    %convert_element_type3A_116 = arith.truncf %get3A_115 : vector<256x128xf32> to vector<256x128xbf16>
    %get3A_117 = arith.constant 2 : index
    %get3A_118 = arith.constant 1 : index
    %get3A_119 = arith.constant 0 : index
    %get3A_120 = arith.constant 0 : index
    %get3A_121 = vector.load %arg4[%get3A_117, %get3A_118, %get3A_119, %get3A_120] : memref<8x2x256x128xf32, #tpu.memory_space<vmem>>, vector<1x1x256x128xf32>
    %get3A_122 = vector.shape_cast %get3A_121 : vector<1x1x256x128xf32> to vector<256x128xf32>
    %convert_element_type3A_123 = arith.truncf %get3A_122 : vector<256x128xf32> to vector<256x128xbf16>
    %slice3A_124 = vector.extract_strided_slice %convert_element_type3A_107 {offsets = [0, 0], sizes = [128, 256], strides = [1, 1]} : vector<256x256xbf16> to vector<128x256xbf16>
    %dot_general3A_125 = arith.constant dense<0.000000e+00> : vector<256x256xf32>
    %dot_general3A_126 = tpu.matmul %convert_element_type3A_116, %slice3A_124, %dot_general3A_125 {dimension_numbers = #tpu.dot_dimension_numbers<[1], [0], [0], [1], [0, 0, 1, 1], [], []>, transpose_lhs_hint = false} : vector<256x128xbf16>, vector<128x256xbf16>, vector<256x256xf32> -> vector<256x256xf32>
    %slice3A_127 = vector.extract_strided_slice %convert_element_type3A_107 {offsets = [128, 0], sizes = [128, 256], strides = [1, 1]} : vector<256x256xbf16> to vector<128x256xbf16>
    %dot_general3A_128 = arith.constant dense<0.000000e+00> : vector<256x256xf32>
    %dot_general3A_129 = tpu.matmul %convert_element_type3A_123, %slice3A_127, %dot_general3A_128 {dimension_numbers = #tpu.dot_dimension_numbers<[1], [0], [0], [1], [0, 0, 1, 1], [], []>, transpose_lhs_hint = false} : vector<256x128xbf16>, vector<128x256xbf16>, vector<256x256xf32> -> vector<256x256xf32>
    %add3A_130 = arith.addf %dot_general3A_126, %dot_general3A_129 : vector<256x256xf32>
    %mul3A_131 = arith.mulf %dot_general3A_109, %add3A_130 : vector<256x256xf32>
    %reduce_sum3A_132 = vector.shape_cast %mul3A_131 : vector<256x256xf32> to vector<1x256x256xf32>
    %reduce_sum3A_133 = arith.constant dense<0.000000e+00> : vector<1xf32>
    %reduce_sum3A_134 = vector.multi_reduction <add>, %reduce_sum3A_132, %reduce_sum3A_133 [1, 2] : vector<1x256x256xf32> to vector<1xf32>
    %reduce_sum3A_135 = vector.shape_cast %reduce_sum3A_134 : vector<1xf32> to vector<1x1x1xf32>
    %reduce_sum3A_136 = vector.extract %reduce_sum3A_135[0, 0, 0] : f32 from vector<1x1x1xf32>
    %get3A_137 = arith.constant 2 : index
    %get3A_138 = arith.constant 0 : index
    %get3A_139 = arith.constant 0 : index
    %get3A_140 = vector.load %arg2[%get3A_137, %get3A_138, %get3A_139] : memref<8x1x512xf32, #tpu.memory_space<vmem>>, vector<1x1x512xf32>
    %get3A_141 = vector.shape_cast %get3A_140 : vector<1x1x512xf32> to vector<512xf32>
    %reduce_sum3A_142 = vector.shape_cast %get3A_141 : vector<512xf32> to vector<1x512xf32>
    %reduce_sum3A_143 = arith.constant dense<0.000000e+00> : vector<1xf32>
    %reduce_sum3A_144 = vector.multi_reduction <add>, %reduce_sum3A_142, %reduce_sum3A_143 [1] : vector<1x512xf32> to vector<1xf32>
    %reduce_sum3A_145 = vector.shape_cast %reduce_sum3A_144 : vector<1xf32> to vector<1x1xf32>
    %reduce_sum3A_146 = vector.extract %reduce_sum3A_145[0, 0] : f32 from vector<1x1xf32>
    %max3A_147 = arith.constant 9.99999993E-9 : f32
    %max3A_148 = arith.maximumf %reduce_sum3A_146, %max3A_147 : f32
    %div3A_149 = arith.divf %reduce_sum3A_136, %max3A_148 : f32
    %add3A_150 = arith.addf %add3A_101, %div3A_149 : f32
    %get3A_151 = arith.constant 3 : index
    %get3A_152 = arith.constant 0 : index
    %get3A_153 = arith.constant 0 : index
    %get3A_154 = vector.load %arg3[%get3A_151, %get3A_152, %get3A_153] : memref<8x256x256xf32, #tpu.memory_space<vmem>>, vector<1x256x256xf32>
    %get3A_155 = vector.shape_cast %get3A_154 : vector<1x256x256xf32> to vector<256x256xf32>
    %convert_element_type3A_156 = arith.truncf %get3A_155 : vector<256x256xf32> to vector<256x256xbf16>
    %dot_general3A_157 = arith.constant dense<0.000000e+00> : vector<256x256xf32>
    %dot_general3A_158 = tpu.matmul %convert_element_type3A_156, %convert_element_type3A, %dot_general3A_157 {dimension_numbers = #tpu.dot_dimension_numbers<[1], [0], [0], [1], [0, 0, 1, 1], [], []>, transpose_lhs_hint = false} : vector<256x256xbf16>, vector<256x256xbf16>, vector<256x256xf32> -> vector<256x256xf32>
    %get3A_159 = arith.constant 3 : index
    %get3A_160 = arith.constant 0 : index
    %get3A_161 = arith.constant 0 : index
    %get3A_162 = arith.constant 0 : index
    %get3A_163 = vector.load %arg4[%get3A_159, %get3A_160, %get3A_161, %get3A_162] : memref<8x2x256x128xf32, #tpu.memory_space<vmem>>, vector<1x1x256x128xf32>
    %get3A_164 = vector.shape_cast %get3A_163 : vector<1x1x256x128xf32> to vector<256x128xf32>
    %convert_element_type3A_165 = arith.truncf %get3A_164 : vector<256x128xf32> to vector<256x128xbf16>
    %get3A_166 = arith.constant 3 : index
    %get3A_167 = arith.constant 1 : index
    %get3A_168 = arith.constant 0 : index
    %get3A_169 = arith.constant 0 : index
    %get3A_170 = vector.load %arg4[%get3A_166, %get3A_167, %get3A_168, %get3A_169] : memref<8x2x256x128xf32, #tpu.memory_space<vmem>>, vector<1x1x256x128xf32>
    %get3A_171 = vector.shape_cast %get3A_170 : vector<1x1x256x128xf32> to vector<256x128xf32>
    %convert_element_type3A_172 = arith.truncf %get3A_171 : vector<256x128xf32> to vector<256x128xbf16>
    %slice3A_173 = vector.extract_strided_slice %convert_element_type3A_156 {offsets = [0, 0], sizes = [128, 256], strides = [1, 1]} : vector<256x256xbf16> to vector<128x256xbf16>
    %dot_general3A_174 = arith.constant dense<0.000000e+00> : vector<256x256xf32>
    %dot_general3A_175 = tpu.matmul %convert_element_type3A_165, %slice3A_173, %dot_general3A_174 {dimension_numbers = #tpu.dot_dimension_numbers<[1], [0], [0], [1], [0, 0, 1, 1], [], []>, transpose_lhs_hint = false} : vector<256x128xbf16>, vector<128x256xbf16>, vector<256x256xf32> -> vector<256x256xf32>
    %slice3A_176 = vector.extract_strided_slice %convert_element_type3A_156 {offsets = [128, 0], sizes = [128, 256], strides = [1, 1]} : vector<256x256xbf16> to vector<128x256xbf16>
    %dot_general3A_177 = arith.constant dense<0.000000e+00> : vector<256x256xf32>
    %dot_general3A_178 = tpu.matmul %convert_element_type3A_172, %slice3A_176, %dot_general3A_177 {dimension_numbers = #tpu.dot_dimension_numbers<[1], [0], [0], [1], [0, 0, 1, 1], [], []>, transpose_lhs_hint = false} : vector<256x128xbf16>, vector<128x256xbf16>, vector<256x256xf32> -> vector<256x256xf32>
    %add3A_179 = arith.addf %dot_general3A_175, %dot_general3A_178 : vector<256x256xf32>
    %mul3A_180 = arith.mulf %dot_general3A_158, %add3A_179 : vector<256x256xf32>
    %reduce_sum3A_181 = vector.shape_cast %mul3A_180 : vector<256x256xf32> to vector<1x256x256xf32>
    %reduce_sum3A_182 = arith.constant dense<0.000000e+00> : vector<1xf32>
    %reduce_sum3A_183 = vector.multi_reduction <add>, %reduce_sum3A_181, %reduce_sum3A_182 [1, 2] : vector<1x256x256xf32> to vector<1xf32>
    %reduce_sum3A_184 = vector.shape_cast %reduce_sum3A_183 : vector<1xf32> to vector<1x1x1xf32>
    %reduce_sum3A_185 = vector.extract %reduce_sum3A_184[0, 0, 0] : f32 from vector<1x1x1xf32>
    %get3A_186 = arith.constant 3 : index
    %get3A_187 = arith.constant 0 : index
    %get3A_188 = arith.constant 0 : index
    %get3A_189 = vector.load %arg2[%get3A_186, %get3A_187, %get3A_188] : memref<8x1x512xf32, #tpu.memory_space<vmem>>, vector<1x1x512xf32>
    %get3A_190 = vector.shape_cast %get3A_189 : vector<1x1x512xf32> to vector<512xf32>
    %reduce_sum3A_191 = vector.shape_cast %get3A_190 : vector<512xf32> to vector<1x512xf32>
    %reduce_sum3A_192 = arith.constant dense<0.000000e+00> : vector<1xf32>
    %reduce_sum3A_193 = vector.multi_reduction <add>, %reduce_sum3A_191, %reduce_sum3A_192 [1] : vector<1x512xf32> to vector<1xf32>
    %reduce_sum3A_194 = vector.shape_cast %reduce_sum3A_193 : vector<1xf32> to vector<1x1xf32>
    %reduce_sum3A_195 = vector.extract %reduce_sum3A_194[0, 0] : f32 from vector<1x1xf32>
    %max3A_196 = arith.constant 9.99999993E-9 : f32
    %max3A_197 = arith.maximumf %reduce_sum3A_195, %max3A_196 : f32
    %div3A_198 = arith.divf %reduce_sum3A_185, %max3A_197 : f32
    %add3A_199 = arith.addf %add3A_150, %div3A_198 : f32
    %get3A_200 = arith.constant 4 : index
    %get3A_201 = arith.constant 0 : index
    %get3A_202 = arith.constant 0 : index
    %get3A_203 = vector.load %arg3[%get3A_200, %get3A_201, %get3A_202] : memref<8x256x256xf32, #tpu.memory_space<vmem>>, vector<1x256x256xf32>
    %get3A_204 = vector.shape_cast %get3A_203 : vector<1x256x256xf32> to vector<256x256xf32>
    %convert_element_type3A_205 = arith.truncf %get3A_204 : vector<256x256xf32> to vector<256x256xbf16>
    %dot_general3A_206 = arith.constant dense<0.000000e+00> : vector<256x256xf32>
    %dot_general3A_207 = tpu.matmul %convert_element_type3A_205, %convert_element_type3A, %dot_general3A_206 {dimension_numbers = #tpu.dot_dimension_numbers<[1], [0], [0], [1], [0, 0, 1, 1], [], []>, transpose_lhs_hint = false} : vector<256x256xbf16>, vector<256x256xbf16>, vector<256x256xf32> -> vector<256x256xf32>
    %get3A_208 = arith.constant 4 : index
    %get3A_209 = arith.constant 0 : index
    %get3A_210 = arith.constant 0 : index
    %get3A_211 = arith.constant 0 : index
    %get3A_212 = vector.load %arg4[%get3A_208, %get3A_209, %get3A_210, %get3A_211] : memref<8x2x256x128xf32, #tpu.memory_space<vmem>>, vector<1x1x256x128xf32>
    %get3A_213 = vector.shape_cast %get3A_212 : vector<1x1x256x128xf32> to vector<256x128xf32>
    %convert_element_type3A_214 = arith.truncf %get3A_213 : vector<256x128xf32> to vector<256x128xbf16>
    %get3A_215 = arith.constant 4 : index
    %get3A_216 = arith.constant 1 : index
    %get3A_217 = arith.constant 0 : index
    %get3A_218 = arith.constant 0 : index
    %get3A_219 = vector.load %arg4[%get3A_215, %get3A_216, %get3A_217, %get3A_218] : memref<8x2x256x128xf32, #tpu.memory_space<vmem>>, vector<1x1x256x128xf32>
    %get3A_220 = vector.shape_cast %get3A_219 : vector<1x1x256x128xf32> to vector<256x128xf32>
    %convert_element_type3A_221 = arith.truncf %get3A_220 : vector<256x128xf32> to vector<256x128xbf16>
    %slice3A_222 = vector.extract_strided_slice %convert_element_type3A_205 {offsets = [0, 0], sizes = [128, 256], strides = [1, 1]} : vector<256x256xbf16> to vector<128x256xbf16>
    %dot_general3A_223 = arith.constant dense<0.000000e+00> : vector<256x256xf32>
    %dot_general3A_224 = tpu.matmul %convert_element_type3A_214, %slice3A_222, %dot_general3A_223 {dimension_numbers = #tpu.dot_dimension_numbers<[1], [0], [0], [1], [0, 0, 1, 1], [], []>, transpose_lhs_hint = false} : vector<256x128xbf16>, vector<128x256xbf16>, vector<256x256xf32> -> vector<256x256xf32>
    %slice3A_225 = vector.extract_strided_slice %convert_element_type3A_205 {offsets = [128, 0], sizes = [128, 256], strides = [1, 1]} : vector<256x256xbf16> to vector<128x256xbf16>
    %dot_general3A_226 = arith.constant dense<0.000000e+00> : vector<256x256xf32>
    %dot_general3A_227 = tpu.matmul %convert_element_type3A_221, %slice3A_225, %dot_general3A_226 {dimension_numbers = #tpu.dot_dimension_numbers<[1], [0], [0], [1], [0, 0, 1, 1], [], []>, transpose_lhs_hint = false} : vector<256x128xbf16>, vector<128x256xbf16>, vector<256x256xf32> -> vector<256x256xf32>
    %add3A_228 = arith.addf %dot_general3A_224, %dot_general3A_227 : vector<256x256xf32>
    %mul3A_229 = arith.mulf %dot_general3A_207, %add3A_228 : vector<256x256xf32>
    %reduce_sum3A_230 = vector.shape_cast %mul3A_229 : vector<256x256xf32> to vector<1x256x256xf32>
    %reduce_sum3A_231 = arith.constant dense<0.000000e+00> : vector<1xf32>
    %reduce_sum3A_232 = vector.multi_reduction <add>, %reduce_sum3A_230, %reduce_sum3A_231 [1, 2] : vector<1x256x256xf32> to vector<1xf32>
    %reduce_sum3A_233 = vector.shape_cast %reduce_sum3A_232 : vector<1xf32> to vector<1x1x1xf32>
    %reduce_sum3A_234 = vector.extract %reduce_sum3A_233[0, 0, 0] : f32 from vector<1x1x1xf32>
    %get3A_235 = arith.constant 4 : index
    %get3A_236 = arith.constant 0 : index
    %get3A_237 = arith.constant 0 : index
    %get3A_238 = vector.load %arg2[%get3A_235, %get3A_236, %get3A_237] : memref<8x1x512xf32, #tpu.memory_space<vmem>>, vector<1x1x512xf32>
    %get3A_239 = vector.shape_cast %get3A_238 : vector<1x1x512xf32> to vector<512xf32>
    %reduce_sum3A_240 = vector.shape_cast %get3A_239 : vector<512xf32> to vector<1x512xf32>
    %reduce_sum3A_241 = arith.constant dense<0.000000e+00> : vector<1xf32>
    %reduce_sum3A_242 = vector.multi_reduction <add>, %reduce_sum3A_240, %reduce_sum3A_241 [1] : vector<1x512xf32> to vector<1xf32>
    %reduce_sum3A_243 = vector.shape_cast %reduce_sum3A_242 : vector<1xf32> to vector<1x1xf32>
    %reduce_sum3A_244 = vector.extract %reduce_sum3A_243[0, 0] : f32 from vector<1x1xf32>
    %max3A_245 = arith.constant 9.99999993E-9 : f32
    %max3A_246 = arith.maximumf %reduce_sum3A_244, %max3A_245 : f32
    %div3A_247 = arith.divf %reduce_sum3A_234, %max3A_246 : f32
    %add3A_248 = arith.addf %add3A_199, %div3A_247 : f32
    %get3A_249 = arith.constant 5 : index
    %get3A_250 = arith.constant 0 : index
    %get3A_251 = arith.constant 0 : index
    %get3A_252 = vector.load %arg3[%get3A_249, %get3A_250, %get3A_251] : memref<8x256x256xf32, #tpu.memory_space<vmem>>, vector<1x256x256xf32>
    %get3A_253 = vector.shape_cast %get3A_252 : vector<1x256x256xf32> to vector<256x256xf32>
    %convert_element_type3A_254 = arith.truncf %get3A_253 : vector<256x256xf32> to vector<256x256xbf16>
    %dot_general3A_255 = arith.constant dense<0.000000e+00> : vector<256x256xf32>
    %dot_general3A_256 = tpu.matmul %convert_element_type3A_254, %convert_element_type3A, %dot_general3A_255 {dimension_numbers = #tpu.dot_dimension_numbers<[1], [0], [0], [1], [0, 0, 1, 1], [], []>, transpose_lhs_hint = false} : vector<256x256xbf16>, vector<256x256xbf16>, vector<256x256xf32> -> vector<256x256xf32>
    %get3A_257 = arith.constant 5 : index
    %get3A_258 = arith.constant 0 : index
    %get3A_259 = arith.constant 0 : index
    %get3A_260 = arith.constant 0 : index
    %get3A_261 = vector.load %arg4[%get3A_257, %get3A_258, %get3A_259, %get3A_260] : memref<8x2x256x128xf32, #tpu.memory_space<vmem>>, vector<1x1x256x128xf32>
    %get3A_262 = vector.shape_cast %get3A_261 : vector<1x1x256x128xf32> to vector<256x128xf32>
    %convert_element_type3A_263 = arith.truncf %get3A_262 : vector<256x128xf32> to vector<256x128xbf16>
    %get3A_264 = arith.constant 5 : index
    %get3A_265 = arith.constant 1 : index
    %get3A_266 = arith.constant 0 : index
    %get3A_267 = arith.constant 0 : index
    %get3A_268 = vector.load %arg4[%get3A_264, %get3A_265, %get3A_266, %get3A_267] : memref<8x2x256x128xf32, #tpu.memory_space<vmem>>, vector<1x1x256x128xf32>
    %get3A_269 = vector.shape_cast %get3A_268 : vector<1x1x256x128xf32> to vector<256x128xf32>
    %convert_element_type3A_270 = arith.truncf %get3A_269 : vector<256x128xf32> to vector<256x128xbf16>
    %slice3A_271 = vector.extract_strided_slice %convert_element_type3A_254 {offsets = [0, 0], sizes = [128, 256], strides = [1, 1]} : vector<256x256xbf16> to vector<128x256xbf16>
    %dot_general3A_272 = arith.constant dense<0.000000e+00> : vector<256x256xf32>
    %dot_general3A_273 = tpu.matmul %convert_element_type3A_263, %slice3A_271, %dot_general3A_272 {dimension_numbers = #tpu.dot_dimension_numbers<[1], [0], [0], [1], [0, 0, 1, 1], [], []>, transpose_lhs_hint = false} : vector<256x128xbf16>, vector<128x256xbf16>, vector<256x256xf32> -> vector<256x256xf32>
    %slice3A_274 = vector.extract_strided_slice %convert_element_type3A_254 {offsets = [128, 0], sizes = [128, 256], strides = [1, 1]} : vector<256x256xbf16> to vector<128x256xbf16>
    %dot_general3A_275 = arith.constant dense<0.000000e+00> : vector<256x256xf32>
    %dot_general3A_276 = tpu.matmul %convert_element_type3A_270, %slice3A_274, %dot_general3A_275 {dimension_numbers = #tpu.dot_dimension_numbers<[1], [0], [0], [1], [0, 0, 1, 1], [], []>, transpose_lhs_hint = false} : vector<256x128xbf16>, vector<128x256xbf16>, vector<256x256xf32> -> vector<256x256xf32>
    %add3A_277 = arith.addf %dot_general3A_273, %dot_general3A_276 : vector<256x256xf32>
    %mul3A_278 = arith.mulf %dot_general3A_256, %add3A_277 : vector<256x256xf32>
    %reduce_sum3A_279 = vector.shape_cast %mul3A_278 : vector<256x256xf32> to vector<1x256x256xf32>
    %reduce_sum3A_280 = arith.constant dense<0.000000e+00> : vector<1xf32>
    %reduce_sum3A_281 = vector.multi_reduction <add>, %reduce_sum3A_279, %reduce_sum3A_280 [1, 2] : vector<1x256x256xf32> to vector<1xf32>
    %reduce_sum3A_282 = vector.shape_cast %reduce_sum3A_281 : vector<1xf32> to vector<1x1x1xf32>
    %reduce_sum3A_283 = vector.extract %reduce_sum3A_282[0, 0, 0] : f32 from vector<1x1x1xf32>
    %get3A_284 = arith.constant 5 : index
    %get3A_285 = arith.constant 0 : index
    %get3A_286 = arith.constant 0 : index
    %get3A_287 = vector.load %arg2[%get3A_284, %get3A_285, %get3A_286] : memref<8x1x512xf32, #tpu.memory_space<vmem>>, vector<1x1x512xf32>
    %get3A_288 = vector.shape_cast %get3A_287 : vector<1x1x512xf32> to vector<512xf32>
    %reduce_sum3A_289 = vector.shape_cast %get3A_288 : vector<512xf32> to vector<1x512xf32>
    %reduce_sum3A_290 = arith.constant dense<0.000000e+00> : vector<1xf32>
    %reduce_sum3A_291 = vector.multi_reduction <add>, %reduce_sum3A_289, %reduce_sum3A_290 [1] : vector<1x512xf32> to vector<1xf32>
    %reduce_sum3A_292 = vector.shape_cast %reduce_sum3A_291 : vector<1xf32> to vector<1x1xf32>
    %reduce_sum3A_293 = vector.extract %reduce_sum3A_292[0, 0] : f32 from vector<1x1xf32>
    %max3A_294 = arith.constant 9.99999993E-9 : f32
    %max3A_295 = arith.maximumf %reduce_sum3A_293, %max3A_294 : f32
    %div3A_296 = arith.divf %reduce_sum3A_283, %max3A_295 : f32
    %add3A_297 = arith.addf %add3A_248, %div3A_296 : f32
    %get3A_298 = arith.constant 6 : index
    %get3A_299 = arith.constant 0 : index
    %get3A_300 = arith.constant 0 : index
    %get3A_301 = vector.load %arg3[%get3A_298, %get3A_299, %get3A_300] : memref<8x256x256xf32, #tpu.memory_space<vmem>>, vector<1x256x256xf32>
    %get3A_302 = vector.shape_cast %get3A_301 : vector<1x256x256xf32> to vector<256x256xf32>
    %convert_element_type3A_303 = arith.truncf %get3A_302 : vector<256x256xf32> to vector<256x256xbf16>
    %dot_general3A_304 = arith.constant dense<0.000000e+00> : vector<256x256xf32>
    %dot_general3A_305 = tpu.matmul %convert_element_type3A_303, %convert_element_type3A, %dot_general3A_304 {dimension_numbers = #tpu.dot_dimension_numbers<[1], [0], [0], [1], [0, 0, 1, 1], [], []>, transpose_lhs_hint = false} : vector<256x256xbf16>, vector<256x256xbf16>, vector<256x256xf32> -> vector<256x256xf32>
    %get3A_306 = arith.constant 6 : index
    %get3A_307 = arith.constant 0 : index
    %get3A_308 = arith.constant 0 : index
    %get3A_309 = arith.constant 0 : index
    %get3A_310 = vector.load %arg4[%get3A_306, %get3A_307, %get3A_308, %get3A_309] : memref<8x2x256x128xf32, #tpu.memory_space<vmem>>, vector<1x1x256x128xf32>
    %get3A_311 = vector.shape_cast %get3A_310 : vector<1x1x256x128xf32> to vector<256x128xf32>
    %convert_element_type3A_312 = arith.truncf %get3A_311 : vector<256x128xf32> to vector<256x128xbf16>
    %get3A_313 = arith.constant 6 : index
    %get3A_314 = arith.constant 1 : index
    %get3A_315 = arith.constant 0 : index
    %get3A_316 = arith.constant 0 : index
    %get3A_317 = vector.load %arg4[%get3A_313, %get3A_314, %get3A_315, %get3A_316] : memref<8x2x256x128xf32, #tpu.memory_space<vmem>>, vector<1x1x256x128xf32>
    %get3A_318 = vector.shape_cast %get3A_317 : vector<1x1x256x128xf32> to vector<256x128xf32>
    %convert_element_type3A_319 = arith.truncf %get3A_318 : vector<256x128xf32> to vector<256x128xbf16>
    %slice3A_320 = vector.extract_strided_slice %convert_element_type3A_303 {offsets = [0, 0], sizes = [128, 256], strides = [1, 1]} : vector<256x256xbf16> to vector<128x256xbf16>
    %dot_general3A_321 = arith.constant dense<0.000000e+00> : vector<256x256xf32>
    %dot_general3A_322 = tpu.matmul %convert_element_type3A_312, %slice3A_320, %dot_general3A_321 {dimension_numbers = #tpu.dot_dimension_numbers<[1], [0], [0], [1], [0, 0, 1, 1], [], []>, transpose_lhs_hint = false} : vector<256x128xbf16>, vector<128x256xbf16>, vector<256x256xf32> -> vector<256x256xf32>
    %slice3A_323 = vector.extract_strided_slice %convert_element_type3A_303 {offsets = [128, 0], sizes = [128, 256], strides = [1, 1]} : vector<256x256xbf16> to vector<128x256xbf16>
    %dot_general3A_324 = arith.constant dense<0.000000e+00> : vector<256x256xf32>
    %dot_general3A_325 = tpu.matmul %convert_element_type3A_319, %slice3A_323, %dot_general3A_324 {dimension_numbers = #tpu.dot_dimension_numbers<[1], [0], [0], [1], [0, 0, 1, 1], [], []>, transpose_lhs_hint = false} : vector<256x128xbf16>, vector<128x256xbf16>, vector<256x256xf32> -> vector<256x256xf32>
    %add3A_326 = arith.addf %dot_general3A_322, %dot_general3A_325 : vector<256x256xf32>
    %mul3A_327 = arith.mulf %dot_general3A_305, %add3A_326 : vector<256x256xf32>
    %reduce_sum3A_328 = vector.shape_cast %mul3A_327 : vector<256x256xf32> to vector<1x256x256xf32>
    %reduce_sum3A_329 = arith.constant dense<0.000000e+00> : vector<1xf32>
    %reduce_sum3A_330 = vector.multi_reduction <add>, %reduce_sum3A_328, %reduce_sum3A_329 [1, 2] : vector<1x256x256xf32> to vector<1xf32>
    %reduce_sum3A_331 = vector.shape_cast %reduce_sum3A_330 : vector<1xf32> to vector<1x1x1xf32>
    %reduce_sum3A_332 = vector.extract %reduce_sum3A_331[0, 0, 0] : f32 from vector<1x1x1xf32>
    %get3A_333 = arith.constant 6 : index
    %get3A_334 = arith.constant 0 : index
    %get3A_335 = arith.constant 0 : index
    %get3A_336 = vector.load %arg2[%get3A_333, %get3A_334, %get3A_335] : memref<8x1x512xf32, #tpu.memory_space<vmem>>, vector<1x1x512xf32>
    %get3A_337 = vector.shape_cast %get3A_336 : vector<1x1x512xf32> to vector<512xf32>
    %reduce_sum3A_338 = vector.shape_cast %get3A_337 : vector<512xf32> to vector<1x512xf32>
    %reduce_sum3A_339 = arith.constant dense<0.000000e+00> : vector<1xf32>
    %reduce_sum3A_340 = vector.multi_reduction <add>, %reduce_sum3A_338, %reduce_sum3A_339 [1] : vector<1x512xf32> to vector<1xf32>
    %reduce_sum3A_341 = vector.shape_cast %reduce_sum3A_340 : vector<1xf32> to vector<1x1xf32>
    %reduce_sum3A_342 = vector.extract %reduce_sum3A_341[0, 0] : f32 from vector<1x1xf32>
    %max3A_343 = arith.constant 9.99999993E-9 : f32
    %max3A_344 = arith.maximumf %reduce_sum3A_342, %max3A_343 : f32
    %div3A_345 = arith.divf %reduce_sum3A_332, %max3A_344 : f32
    %add3A_346 = arith.addf %add3A_297, %div3A_345 : f32
    %get3A_347 = arith.constant 7 : index
    %get3A_348 = arith.constant 0 : index
    %get3A_349 = arith.constant 0 : index
    %get3A_350 = vector.load %arg3[%get3A_347, %get3A_348, %get3A_349] : memref<8x256x256xf32, #tpu.memory_space<vmem>>, vector<1x256x256xf32>
    %get3A_351 = vector.shape_cast %get3A_350 : vector<1x256x256xf32> to vector<256x256xf32>
    %convert_element_type3A_352 = arith.truncf %get3A_351 : vector<256x256xf32> to vector<256x256xbf16>
    %dot_general3A_353 = arith.constant dense<0.000000e+00> : vector<256x256xf32>
    %dot_general3A_354 = tpu.matmul %convert_element_type3A_352, %convert_element_type3A, %dot_general3A_353 {dimension_numbers = #tpu.dot_dimension_numbers<[1], [0], [0], [1], [0, 0, 1, 1], [], []>, transpose_lhs_hint = false} : vector<256x256xbf16>, vector<256x256xbf16>, vector<256x256xf32> -> vector<256x256xf32>
    %get3A_355 = arith.constant 7 : index
    %get3A_356 = arith.constant 0 : index
    %get3A_357 = arith.constant 0 : index
    %get3A_358 = arith.constant 0 : index
    %get3A_359 = vector.load %arg4[%get3A_355, %get3A_356, %get3A_357, %get3A_358] : memref<8x2x256x128xf32, #tpu.memory_space<vmem>>, vector<1x1x256x128xf32>
    %get3A_360 = vector.shape_cast %get3A_359 : vector<1x1x256x128xf32> to vector<256x128xf32>
    %convert_element_type3A_361 = arith.truncf %get3A_360 : vector<256x128xf32> to vector<256x128xbf16>
    %get3A_362 = arith.constant 7 : index
    %get3A_363 = arith.constant 1 : index
    %get3A_364 = arith.constant 0 : index
    %get3A_365 = arith.constant 0 : index
    %get3A_366 = vector.load %arg4[%get3A_362, %get3A_363, %get3A_364, %get3A_365] : memref<8x2x256x128xf32, #tpu.memory_space<vmem>>, vector<1x1x256x128xf32>
    %get3A_367 = vector.shape_cast %get3A_366 : vector<1x1x256x128xf32> to vector<256x128xf32>
    %convert_element_type3A_368 = arith.truncf %get3A_367 : vector<256x128xf32> to vector<256x128xbf16>
    %slice3A_369 = vector.extract_strided_slice %convert_element_type3A_352 {offsets = [0, 0], sizes = [128, 256], strides = [1, 1]} : vector<256x256xbf16> to vector<128x256xbf16>
    %dot_general3A_370 = arith.constant dense<0.000000e+00> : vector<256x256xf32>
    %dot_general3A_371 = tpu.matmul %convert_element_type3A_361, %slice3A_369, %dot_general3A_370 {dimension_numbers = #tpu.dot_dimension_numbers<[1], [0], [0], [1], [0, 0, 1, 1], [], []>, transpose_lhs_hint = false} : vector<256x128xbf16>, vector<128x256xbf16>, vector<256x256xf32> -> vector<256x256xf32>
    %slice3A_372 = vector.extract_strided_slice %convert_element_type3A_352 {offsets = [128, 0], sizes = [128, 256], strides = [1, 1]} : vector<256x256xbf16> to vector<128x256xbf16>
    %dot_general3A_373 = arith.constant dense<0.000000e+00> : vector<256x256xf32>
    %dot_general3A_374 = tpu.matmul %convert_element_type3A_368, %slice3A_372, %dot_general3A_373 {dimension_numbers = #tpu.dot_dimension_numbers<[1], [0], [0], [1], [0, 0, 1, 1], [], []>, transpose_lhs_hint = false} : vector<256x128xbf16>, vector<128x256xbf16>, vector<256x256xf32> -> vector<256x256xf32>
    %add3A_375 = arith.addf %dot_general3A_371, %dot_general3A_374 : vector<256x256xf32>
    %mul3A_376 = arith.mulf %dot_general3A_354, %add3A_375 : vector<256x256xf32>
    %reduce_sum3A_377 = vector.shape_cast %mul3A_376 : vector<256x256xf32> to vector<1x256x256xf32>
    %reduce_sum3A_378 = arith.constant dense<0.000000e+00> : vector<1xf32>
    %reduce_sum3A_379 = vector.multi_reduction <add>, %reduce_sum3A_377, %reduce_sum3A_378 [1, 2] : vector<1x256x256xf32> to vector<1xf32>
    %reduce_sum3A_380 = vector.shape_cast %reduce_sum3A_379 : vector<1xf32> to vector<1x1x1xf32>
    %reduce_sum3A_381 = vector.extract %reduce_sum3A_380[0, 0, 0] : f32 from vector<1x1x1xf32>
    %get3A_382 = arith.constant 7 : index
    %get3A_383 = arith.constant 0 : index
    %get3A_384 = arith.constant 0 : index
    %get3A_385 = vector.load %arg2[%get3A_382, %get3A_383, %get3A_384] : memref<8x1x512xf32, #tpu.memory_space<vmem>>, vector<1x1x512xf32>
    %get3A_386 = vector.shape_cast %get3A_385 : vector<1x1x512xf32> to vector<512xf32>
    %reduce_sum3A_387 = vector.shape_cast %get3A_386 : vector<512xf32> to vector<1x512xf32>
    %reduce_sum3A_388 = arith.constant dense<0.000000e+00> : vector<1xf32>
    %reduce_sum3A_389 = vector.multi_reduction <add>, %reduce_sum3A_387, %reduce_sum3A_388 [1] : vector<1x512xf32> to vector<1xf32>
    %reduce_sum3A_390 = vector.shape_cast %reduce_sum3A_389 : vector<1xf32> to vector<1x1xf32>
    %reduce_sum3A_391 = vector.extract %reduce_sum3A_390[0, 0] : f32 from vector<1x1xf32>
    %max3A_392 = arith.constant 9.99999993E-9 : f32
    %max3A_393 = arith.maximumf %reduce_sum3A_391, %max3A_392 : f32
    %div3A_394 = arith.divf %reduce_sum3A_381, %max3A_393 : f32
    %add3A_395 = arith.addf %add3A_346, %div3A_394 : f32
    %eq3A = arith.constant 0 : i32
    %eq3A_396 = arith.cmpi eq, %arg0, %eq3A : i32
    %convert_element_type3A_397 = arith.extui %eq3A_396 : i1 to i32
    %cond3A = arith.constant 0 : i32
    %cond3A_398 = arith.cmpi ne, %convert_element_type3A_397, %cond3A : i32
    scf.if %cond3A_398 {
      %swap3A_407 = arith.constant 0.000000e+00 : f32
      %swap3A_408 = arith.constant 0 : index
      %swap3A_409 = arith.constant 0 : index
      %swap3A_410 = memref.load %arg5[%swap3A_408, %swap3A_409] : memref<1x1xf32, #tpu.memory_space<smem>>
      memref.store %swap3A_407, %arg5[%swap3A_408, %swap3A_409] : memref<1x1xf32, #tpu.memory_space<smem>>
    } else {
    }
    %get3A_399 = arith.constant 0 : index
    %get3A_400 = arith.constant 0 : index
    %get3A_401 = memref.load %arg5[%get3A_399, %get3A_400] : memref<1x1xf32, #tpu.memory_space<smem>>
    %div3A_402 = arith.constant 1.600000e+01 : f32
    %div3A_403 = arith.divf %add3A_395, %div3A_402 : f32
    %add3A_404 = arith.addf %get3A_401, %div3A_403 : f32
    %swap3A = arith.constant 0 : index
    %swap3A_405 = arith.constant 0 : index
    %swap3A_406 = memref.load %arg5[%swap3A, %swap3A_405] : memref<1x1xf32, #tpu.memory_space<smem>>
    memref.store %add3A_404, %arg5[%swap3A, %swap3A_405] : memref<1x1xf32, #tpu.memory_space<smem>>
    return
  }
  func.func @transform_0(%arg0: i32) -> (i32, i32) {
    %c0_i32 = arith.constant 0 : i32
    %c0_i32_0 = arith.constant 0 : i32
    %c0_i32_1 = arith.constant 0 : i32
    return %c0_i32, %c0_i32_0 : i32, i32
  }
  func.func @transform_1(%arg0: i32) -> (i32, i32, i32) {
    %c0_i32 = arith.constant 0 : i32
    %c0_i32_0 = arith.constant 0 : i32
    %c0_i32_1 = arith.constant 0 : i32
    return %arg0, %c0_i32, %c0_i32_0 : i32, i32, i32
  }
  func.func @transform_2(%arg0: i32) -> (i32, i32, i32) {
    %c0_i32 = arith.constant 0 : i32
    %c0_i32_0 = arith.constant 0 : i32
    %c0_i32_1 = arith.constant 0 : i32
    return %arg0, %c0_i32, %c0_i32_0 : i32, i32, i32
  }
  func.func @transform_3(%arg0: i32) -> (i32, i32, i32, i32) {
    %c0_i32 = arith.constant 0 : i32
    %c0_i32_0 = arith.constant 0 : i32
    %c0_i32_1 = arith.constant 0 : i32
    %c0_i32_2 = arith.constant 0 : i32
    return %arg0, %c0_i32, %c0_i32_0, %c0_i32_1 : i32, i32, i32, i32
  }
  func.func @transform_4(%arg0: i32) -> (i32, i32) {
    %c0_i32 = arith.constant 0 : i32
    %c0_i32_0 = arith.constant 0 : i32
    %c0_i32_1 = arith.constant 0 : i32
    return %c0_i32, %c0_i32_0 : i32, i32
  }
}

</mosaic_0001>

<sc_bundles>
// kernel: kernel.4.cloned.1.call-start
scs
__scs_entry_jumppad:
0x0: {  	(pc) =	sbr.rel $0x88, $3  }
0x1: {  	(tag) =	ssettag $0x0;
	lr =	simm.s32 $0x1  }
0x2: {  	[smem:$0x3F9D] =	sst lr;
	_ =	strace $0xD0000000  }
0x3: {  	_ = 	snop  }
0x4: {  	_ = 	snop  }
0x5: {  	_ = 	snop  }
0x6: {  	_ = 	snop  }
0x7: {  	_ = 	snop  }
__scs_overlays_trampoline_lowered:
0x8: {  	[smem:$0x3FAC] =	sst s0  }
0x9: {  	[smem:$0x3FAD] =	sst s1  }
0xa: {  	[smem:$0x3FAE] =	sst s2  }
0xb: {  	[smem:$0x3FAF] =	sst s3  }
0xc: {  	[smem:$0x3FB0] =	sst s4  }
0xd: {  	[smem:$0x3FB1] =	sst s5  }
0xe: {  	[smem:$0x3FB2] =	sst s6  }
0xf: {  	[smem:$0x3FB3] =	sst s7  }
0x10: {  	[smem:$0x3FB4] =	sst s8  }
0x11: {  	[smem:$0x3FB5] =	sst s9;
	s0 =	simm.s32 @!p0 $0x0  }
0x12: {  	s1 =	sld [smem:$0x3F9B];
	s0 =	simm.s32 @p0 $0x1  }
0x13: {  	[smem:$0x3FB6] =	sst s0;
	s0 =	simm.s32 @!p1 $0x0  }
0x14: {  	s2 =	sld [smem:$0x3F9A];
	s0 =	simm.s32 @p1 $0x1  }
0x15: {  	[smem:$0x3FB7] =	sst s0;
	s0 =	simm.s32 @!p2 $0x0  }
0x16: {  	s3 =	sld [smem:$0x3FDB];
	s0 =	simm.s32 @p2 $0x1  }
0x17: {  	s4 =	simm.s32 $0x1BF5;
	[smem:$0x3FB9] =	sst s0  }
0x18: {  	s0 =	sld [smem:$0x3F9C];
	_ =	swait.ge [sflag:s4], $0x0  }
0x19: {  	s7 =	sld [smem:$0x3F9D]  }
0x1a: {  	s8 =	sadd.s32 $0xFFFFE003, lr  }
0x1b: {  	s9 =	sadd.s32 $0xFFFFFEF7, lr;
	s5 =	simm.s32 $0xFFFFFFFF;
	p2 =	slt.u32 s8, $0xFFFFF086  }
0x1c: {  	p1 =	slt.u32 s9, $0xF7A;
	s5 =	simm.s32 @!p2 $0x0  }
0x1d: {  	s5 =	simm.s32 @p1 $0x1;
	p0 =	seq.s32 s7, s2  }
0x1e: {  	s7 =	smul.u32 @!p0 $0xF7A, s2;
	p2 =	seq.s32 @!p0 s5, $0x0  }
0x1f: {  	s9 =	smul.u32 $0xF7A, s1;
	s8 =	simm.s32 @!p0 $0x1BF5;
	p2 =	por !p2, p0  }
0x20: {  	[sflag:s8] =	ssyncset.s32 @!p0 $0xFFFFF086;
	s6 =	sadd.s32 @!p0 s3, s7;
	s7 =	simm.s32 @!p0 $0x108  }
0x21: {  	s3 =	sadd.s32 s3, s9;
	s6 =	sadd.s32 @!p0 $0x88, s6;
	s7 =	simm.s32 @p2 $0x1082  }
0x22: {  	[simem:s7], [sflag:s8] =	dma.local @!p0 [hbm:s6], $0xF7A  }
0x23: {  	s9 =	sor.u32 $0xD0000000, s2;
	s6 =	simm.s32 $0x108;
	_ =	swait.ge @!p0 [sflag:s8], $0x0  }
0x24: {  	s3 =	sadd.s32 $0x88, s3;
	s6 =	simm.s32 @!p1 $0x1082;
	[sflag:s4] =	ssyncset.s32 $0xFFFFF086  }
0x25: {  	[simem:s6], [sflag:s4] =	dma.local [hbm:s3], $0xF7A  }
0x26: {  	[smem:$0x3F9D] =	sst s1;
	(tag) =	ssettag s2;
	_ =	strace s9  }
0x27: {  	s1 =	sld [smem:$0x3FAD]  }
0x28: {  	s2 =	sld [smem:$0x3FAE]  }
0x29: {  	s4 =	sld [smem:$0x3FB0]  }
0x2a: {  	p0 =	seq.s32 s5, $0x0;
	s5 =	sld [smem:$0x3FB1]  }
0x2b: {  	s6 =	sld [smem:$0x3FB2]  }
0x2c: {  	s7 =	sld [smem:$0x3FB3]  }
0x2d: {  	s3 =	simm.s32 $0x108;
	s8 =	sld [smem:$0x3FB4]  }
0x2e: {  	s3 =	simm.s32 @!p0 $0x1082;
	s9 =	sld [smem:$0x3FB5]  }
0x2f: {  	lr =	sadd.s32 s0, s3;
	s0 =	sld [smem:$0x3FAC]  }
0x30: {  	s3 =	sld [smem:$0x3FAF]  }
0x31: {  	[smem:$0x3FB8] =	sst s10  }
0x32: {  	s10 =	sld [smem:$0x3FB6];
	_ =	sdelay $0x3  }
0x33: {  	p0 =	seq.s32 s10, $0x1;
	s10 =	sld [smem:$0x3FB8];
	_ =	sdelay $0x3  }
0x34: {  	[smem:$0x3FB8] =	sst s10  }
0x35: {  	s10 =	sld [smem:$0x3FB7];
	_ =	sdelay $0x3  }
0x36: {  	p1 =	seq.s32 s10, $0x1;
	s10 =	sld [smem:$0x3FB8];
	_ =	sdelay $0x3  }
0x37: {  	[smem:$0x3FB8] =	sst s10  }
0x38: {  	s10 =	sld [smem:$0x3FB9]  }
0x39: {  	_ = 	snop;
	(pc) =	sbr.ind lr, $3  }
0x3a: {  	_ = 	snop  }
0x3b: {  	_ = 	snop  }
0x3c: {  	p2 =	seq.s32 s10, $0x1;
	s10 =	sld [smem:$0x3FB8]  }
0x3d: {  	_ =	shalt  }
0x3e: {  	_ =	shalt  }
0x3f: {  	_ =	shalt  }
0x40: {  	_ =	shalt  }
0x41: {  	_ =	shalt  }
0x42: {  	_ =	shalt  }
0x43: {  	_ =	shalt  }
0x44: {  	_ =	shalt  }
0x45: {  	_ =	shalt  }
0x46: {  	_ =	shalt  }
0x47: {  	_ =	shalt  }
0x48: {  	_ =	shalt  }
0x49: {  	_ =	shalt  }
0x4a: {  	_ =	shalt  }
0x4b: {  	_ =	shalt  }
0x4c: {  	_ =	shalt  }
0x4d: {  	_ =	shalt  }
0x4e: {  	_ =	shalt  }
0x4f: {  	_ =	shalt  }
0x50: {  	_ =	shalt  }
0x51: {  	_ =	shalt  }
0x52: {  	_ =	shalt  }
0x53: {  	_ =	shalt  }
0x54: {  	_ =	shalt  }
0x55: {  	_ =	shalt  }
0x56: {  	_ =	shalt  }
0x57: {  	_ =	shalt  }
0x58: {  	_ =	shalt  }
0x59: {  	_ =	shalt  }
0x5a: {  	_ =	shalt  }
0x5b: {  	_ =	shalt  }
0x5c: {  	_ =	shalt  }
0x5d: {  	_ =	shalt  }
0x5e: {  	_ =	shalt  }
0x5f: {  	_ =	shalt  }
0x60: {  	_ =	shalt  }
0x61: {  	_ =	shalt  }
0x62: {  	_ =	shalt  }
0x63: {  	_ =	shalt  }
0x64: {  	_ =	shalt  }
0x65: {  	_ =	shalt  }
0x66: {  	_ =	shalt  }
0x67: {  	_ =	shalt  }
0x68: {  	_ =	shalt  }
0x69: {  	_ =	shalt  }
0x6a: {  	_ =	shalt  }
0x6b: {  	_ =	shalt  }
0x6c: {  	_ =	shalt  }
0x6d: {  	_ =	shalt  }
0x6e: {  	_ =	shalt  }
0x6f: {  	_ =	shalt  }
0x70: {  	_ =	shalt  }
0x71: {  	_ =	shalt  }
0x72: {  	_ =	shalt  }
0x73: {  	_ =	shalt  }
0x74: {  	_ =	shalt  }
0x75: {  	_ =	shalt  }
0x76: {  	_ =	shalt  }
0x77: {  	_ =	shalt  }
0x78: {  	_ =	shalt  }
0x79: {  	_ =	shalt  }
0x7a: {  	_ =	shalt  }
0x7b: {  	_ =	shalt  }
0x7c: {  	_ =	shalt  }
0x7d: {  	_ =	shalt  }
0x7e: {  	_ =	shalt  }
0x7f: {  	_ =	shalt  }
0x80: {  	_ =	shalt  }
0x81: {  	_ =	shalt  }
0x82: {  	_ =	shalt  }
0x83: {  	_ =	shalt  }
0x84: {  	_ =	shalt  }
0x85: {  	_ =	shalt  }
0x86: {  	_ =	shalt  }
0x87: {  	_ =	shalt  }
.Lfunc_end0:
.L_simem_size_0:
called_computation_lowered:
.L_overlay_start_0:
0x88: {  	s2 =	sld [smem:$0x3FD9]  }
0x89: {  	s3 =	sld [smem:$0x3FFE];
	_ =	sdelay $0x1  }
0x8a: {  	s1 =	srdreg.scid  }
0x8b: {  	s0 =	sand.u32 $0x1, s1  }
0x8c: {  	s16 =	sshll.u32 s0, $0xA;
	s2 =	sadd.s32 s3, s2  }
0x8d: {  	s2 =	sadd.s32 s2, s16  }
0x8e: {  	[smem:$0x3FC4] =	sst s2  }
0x8f: {  	_ = 	snop  }
0x90: {  	(tm) =	ssettm $0x1  }
0x91: {  	s17 =	sld [smem:$0x3FFB];
	_ =	sdelay $0x3  }
0x92: {  	_ =	strace s17  }
0x93: {  	s2 =	sld [smem:$0x3FFC];
	_ =	sdelay $0x3  }
0x94: {  	_ =	strace s2  }
0x95: {  	s2 =	sld [smem:$0x3FFD];
	_ =	sdelay $0x3  }
0x96: {  	_ =	strace s2  }
0x97: {  	_ =	strace $0x8FFFFFFF  }
0x98: {  	s18 =	sld [smem:$0x3FDB];
	_ =	sdelay $0x1  }
0x99: {  	s19 =	simm.s32 $_scs_section_size  }
0x9a: {  	s4 =	simm.s32 $_size__tile_overlayer_lowered;
	s5 =	simm.s32 $_tile_overlayer_lowered  }
0x9b: {  	s22 =	simm.s32 $0x1BFF;
	s21 =	sshll.u32 s5, $0x1;
	s2 =	sadd.s32 s19, s18  }
0x9c: {  	s6 =	simm.s32 $0x0;
	s20 =	sshll.u32 s4, $0x1;
	s4 =	sadd.s32 s21, s2  }
0x9d: {  	[timem:s6], [sflag:s22] =	dma.local [hbm:s4], s20  }
0x9e: {  	_ =	swait.ge [sflag:s22], s20  }
0x9f: {  	s3 =	ssub.s32 $0x0, s20;
	[sflag:s22] =	ssyncset.done $0x0  }
0xa0: {  	[sflag:s22] =	ssyncadd.s32 s3;
	_ =	sdelay $0x1  }
0xa1: {  	s23 =	simm.s32 $0x1B8B  }
0xa2: {  	_ =	swait.ge [sflag:s23], $0x1  }
0xa3: {  	[sflag:s23] =	ssyncset.done $0x0  }
0xa4: {  	s25 =	simm.s32 $0x1B8E;
	s24 =	sld [smem:$0x3FFE];
	[sflag:s23] =	ssyncadd.s32 $0xFFFFFFFF  }
0xa5: {  	s26 =	simm.s32 $execute0_lowered;
	[smem:$0x3FD2] =	sst s25  }
0xa6: {  	s4 =	sshll.u32 s26, $0x1;
	_ =	strace $0x80000046;
	[dreg:$0x1] =	wrdreg $0xFFFFFFFF  }
0xa7: {  	s28 =	simm.s32 $_size_execute0_lowered;
	s2 =	sadd.s32 s2, s4;
	[dreg:$0x0] =	wrdreg $0x0  }
0xa8: {  	s4 =	sshll.u32 s28, $0x1;
	[dreg:$0x2] =	wrdreg s2  }
0xa9: {  	[dreg:$0x3] =	wrdreg s4  }
0xaa: {  	[dreg:$0x4] =	wrdreg $0xC0  }
0xab: {  	_ =	task [dreg:s6], $0x5FFFF  }
0xac: {  	[dreg:$0x1] =	wrdreg $0xFFFFFFFF  }
0xad: {  	[dreg:$0x0] =	wrdreg $0x60  }
0xae: {  	[dreg:$0x2] =	wrdreg s24  }
0xaf: {  	[dreg:$0x3] =	wrdreg $0x22000  }
0xb0: {  	[dreg:$0x4] =	wrdreg $0x9  }
0xb1: {  	_ =	task.clear_ibuf [dreg:s6], $0x5FFFF;
	_ =	strace $0x90000046  }
0xb2: {  	s29 =	simm.s32 $0x9;
	_ =	strace $0x80000048  }
0xb3: {  	_ =	swait.ge [sflag:s29], $0x1  }
0xb4: {  	[sflag:s29] =	ssyncadd.s32 $0xFFFFFFFF  }
0xb5: {  	_ =	strace $0x90000048  }
0xb6: {  	_ =	sfence  }
0xb7: {  	s30 =	sld [smem:$0x0];
	_ =	sdelay $0x2  }
0xb8: {  	s31 =	sshll.u32 s1, $0xD;
	s1 =	sshrl.u32 s1, $0x2  }
0xb9: {  	s3 =	sand.u32 $0x4000, s31;
	s1 =	sadd.s32 s1, s30  }
0xba: {  	s0 =	sor.u32 s3, s0;
	s1 =	sshll.u32 s1, $0x11  }
0xbb: {  	s0 =	sor.u32 s1, s0  }
0xbc: {  	s0 =	sadd.s32 $0x8F2B, s0  }
0xbd: {  	[sflag:s0] =	ssyncadd.remote.s32 $0x1  }
0xbe: {  	_ =	sfence.sel $0xFFFF  }
0xbf: {  	[dreg:$0x0] =	wrdreg $0xFFFFFFFF;
	(pc) =	sbr.abs _section_cstart, $3  }
0xc0: {  	[dreg:$0x1] =	wrdreg $0xFFFFFFFF  }
0xc1: {  	_ =	task.clear_ibuf [dreg:s6], $0x2FFFF;
	_ =	strace $0x9FFFFFFF  }
0xc2: {  	(tm) =	ssettm $0x7FFFFFFF  }
0xc3: {  	_ =	shalt  }
tec
execute0_lowered:
.L_overlay_start_1:
0x0: {  	(tag) =	ssettag $0x1  }
0x1: {  	s4 =	rddreg [dreg:$0x0]  }
0x2: {  	s1 =	rddreg [dreg:$0x1]  }
0x3: {  	s0 =	rddreg [dreg:$0x2];
	s2 =	simm.s32 $0x0  }
0x4: {  	s3 =	srdreg.scid;
	s12 =	simm.s32 $0x2000;
	s13 =	simm.s32 $0x2100  }
0x5: {  	s14 =	simm.s32 $0x1;
	s15 =	simm.s32 $0x80;
	s16 =	simm.s32 $0x2  }
0x6: {  	s17 =	simm.s32 $0x2080;
	s18 =	simm.s32 $0x2180;
	s21 =	simm.s32 $0x0  }
0x7: {  	[smem:$0x7FF] =	sst s2;
	s5 =	sand.u32 $0x1, s3;
	s3 =	stileid.u32  }
0x8: {  	_ =	strace $0x80000047;
	s6 =	sshll.u32 s5, $0x9;
	s7 =	sshll.u32 s3, $0x5  }
0x9: {  	s8 =	sshll.u32 s3, $0xF;
	s9 =	sshll.u32 s5, $0x13;
	s5 =	ssub.s32 $0x2, s5  }
0xa: {  	s19 =	sshll.u32 s3, $0x6;
	s6 =	sor.u32 s7, s6;
	s30 =	sor.u32 s8, s9  }
0xb: {  	s31 =	sshrl.u32 s5, $0x1;
	s19 =	sor.u32 $0x1C02, s19;
	s7 =	sshrl.u32 s30, $0x3  }
0xc: {  	s6 =	sadd.s32 s6, s4;
	s11 =	ssub.s32 s5, s31;
	s10 =	sadd.s32 s7, s4  }
0xd: {  	s4 =	sadd.s32 s8, s1;
	s5 =	sadd.s32 $0x1200, s6;
	s6 =	sadd.s32 $0xE00, s6  }
0xe: {  	s11 =	smax.u32 s11, $0x1;
	s7 =	sadd.s32 $0x2000, s4;
	s8 =	sadd.s32 $0x4000, s4  }
0xf: {  	v0 =	vimm.f32 $0.0e+00;
	s9 =	sadd.s32 $0x6000, s4;
	s10 =	sadd.s32 $0x1600, s10;
	s20 =	sshrl.u32 s4, $0x3  }
.LBB2_1:
0x10: {  	[tilespmem:s12], [sflag:$0x1] =	stream.linear.gather [hbm4b:s5+s2], $0x100, $0x38;
	[tilespmem:$0xA200] =	vst v63  }
0x11: {  	s22 =	simm.s32 $0x40;
	s23 =	simm.s32 $0x0  }
0x12: {  	[tilespmem:s13], [sflag:$0x1] =	stream.linear.gather [hbm4b:s6+s2], $0x100, $0x38;
	[tilespmem:$0xA200] =	vst v63  }
.LBB2_2:
0x13: {  	p0 =	sne.s32 s22, $0x7FC0;
	[tilespmem:s23+$0x0] =	vst v0;
	s23 =	smov.u32 s22;
	s22 =	sadd.s32 $0x40, s22  }
.Ltmp0:
0x14: {  	(pc) =	sbr.rel @p0 .LBB2_2-.Ltmp0, $2  }
0x15: {  	_ =	sdelay $0x2  }
0x16: {  	s23 =	sshra.s32 s23, $0x2  }
0x17: {  	[tilespmem:s23+$0x0] =	vst v0  }
0x18: {  	[spmem:s4] =	stream.linear.scatter [tilespmem:s2], [sflag:$0x1], $0x2000, $0x38;
	[tilespmem:$0xA200] =	vst v63  }
0x19: {  	_ = 	snop  }
0x1a: {  	[spmem:s7] =	stream.linear.scatter [tilespmem:s2], [sflag:$0x1], $0x2000, $0x38;
	[tilespmem:$0xA200] =	vst v63  }
0x1b: {  	_ = 	snop  }
0x1c: {  	[spmem:s8] =	stream.linear.scatter [tilespmem:s2], [sflag:$0x1], $0x2000, $0x38;
	[tilespmem:$0xA200] =	vst v63  }
0x1d: {  	_ = 	snop  }
0x1e: {  	[spmem:s9] =	stream.linear.scatter [tilespmem:s2], [sflag:$0x1], $0x2000, $0x38;
	[tilespmem:$0xA200] =	vst v63  }
0x1f: {  	_ =	swait.ge [sflag:s14], $0x100  }
0x20: {  	[sflag:s14] =	ssyncset.done $0x0  }
0x21: {  	[sflag:s14] =	ssyncadd.s32 $0xFFFFFF00  }
0x22: {  	_ =	swait.ge [sflag:s14], $0x100  }
0x23: {  	[sflag:s14] =	ssyncset.done $0x0  }
0x24: {  	[sflag:s14] =	ssyncadd.s32 $0xFFFFFF00  }
0x25: {  	_ =	swait.ge [sflag:s14], $0x2000  }
0x26: {  	[sflag:s14] =	ssyncset.done $0x0  }
0x27: {  	[sflag:s14] =	ssyncadd.s32 $0xFFFFE000  }
0x28: {  	_ =	swait.ge [sflag:s14], $0x2000  }
0x29: {  	[sflag:s14] =	ssyncset.done $0x0  }
0x2a: {  	[sflag:s14] =	ssyncadd.s32 $0xFFFFE000  }
0x2b: {  	_ =	swait.ge [sflag:s14], $0x2000  }
0x2c: {  	[sflag:s14] =	ssyncset.done $0x0  }
0x2d: {  	[sflag:s14] =	ssyncadd.s32 $0xFFFFE000  }
0x2e: {  	_ =	swait.ge [sflag:s14], $0x2000  }
0x2f: {  	[sflag:s14] =	ssyncset.done $0x0  }
0x30: {  	[sflag:s14] =	ssyncadd.s32 $0xFFFFE000  }
0x31: {  	[bflag:$0x0] =	sbarrier.arrive $0xFFFF  }
0x32: {  	[spmem:s1] =	stream.indirect.scatter.add.f32 [tilespmem:s13], [sflag:$0x2], $0x1, s12, s15, $0xb8;
	[tilespmem:$0xA200] =	vst v63  }
0x33: {  	_ =	swait.ge [sflag:s16], $0x80  }
0x34: {  	[sflag:s16] =	ssyncset.done $0x0  }
0x35: {  	[sflag:s16] =	ssyncadd.s32 $0xFFFFFF80  }
0x36: {  	[spmem:s1] =	stream.indirect.scatter.add.f32 [tilespmem:s18], [sflag:$0x2], $0x1, s17, s15, $0xb8;
	[tilespmem:$0xA200] =	vst v63  }
0x37: {  	_ =	swait.ge [sflag:s16], $0x80  }
0x38: {  	s21 =	sadd.s32 $0x1, s21;
	[sflag:s16] =	ssyncset.done $0x0  }
0x39: {  	p0 =	sne.s32 s21, s11;
	[sflag:s16] =	ssyncadd.s32 $0xFFFFFF80  }
.Ltmp1:
0x3a: {  	[bflag:$0x0] =	sbarrier.arrive $0xFFFF;
	(pc) =	sbr.rel @p0 .LBB2_1-.Ltmp1, $4  }
0x3b: {  	[hbm:s10], [sflag:s19] =	dma.local [spmem:s20], $0x1000  }
0x3c: {  	_ =	swait.ge [sflag:s16], $0x1000  }
0x3d: {  	[sflag:s16] =	ssyncset.done $0x0  }
0x3e: {  	[sflag:s16] =	ssyncadd.s32 $0xFFFFF000  }
0x3f: {  	_ =	sfence.sel $0x180000  }
0x40: {  	[bflag:$0x0] =	sbarrier.arrive $0xFFFF  }
0x41: {  	p0 =	sne.s32 s3, $0x0;
	_ =	strace $0x90000047  }
0x42: {  	s0 =	sadd.s32 @!p0 $0x100000, s0;
	[bflag:$0x2] =	sbarrier.arrive $0xFFFF  }
0x43: {  	[sflag:s0] =	ssyncadd.tile.s32 @!p0 $0x1;
	_ =	shalt  }
.Lfunc_end2:
_tile_overlayer_lowered:
.L_overlay_start_2:
0x44: {  	(tag) =	ssettag $0x2  }
0x45: {  	s0 =	rddreg [dreg:$0x0];
	s2 =	stileid.u32  }
0x46: {  	s1 =	rddreg [dreg:$0x1];
	p0 =	sne.s32 s2, $0x0  }
0x47: {  	s3 =	rddreg [dreg:$0x2];
	[bflag:$0x3] =	sbarrier.arrive $0xFFFF;
	s2 =	simm.s32 @!p0 $0x1C02  }
0x48: {  	[timem:s3], [sflag:s2] =	dma.local @!p0 [hbm:s0], s1  }
0x49: {  	s0 =	simm.s32 @!p0 $0x2  }
0x4a: {  	_ =	swait.ge @!p0 [sflag:s0], s1  }
0x4b: {  	s1 =	ssub.s32 @!p0 $0x0, s1;
	[sflag:s0] =	ssyncset.done @!p0 $0x0  }
0x4c: {  	[sflag:s0] =	ssyncadd.s32 @!p0 s1  }
0x4d: {  	[bflag:$0x3] =	sbarrier.arrive $0xFFFF  }
0x4e: {  	_ =	shalt  }

</sc_bundles>
